<compile_context>
chip_gen: v7x
topology: tpu7x:2x2x1
jax: 0.10.2.dev20260603
libtpu: 0.0.44.dev20260713+nightly
codegen_flags: <defaults>
</compile_context>

<pallas_src>
import functools

import jax
import jax.numpy as jnp
from jax import lax
from jax.experimental import pallas as pl
from jax.experimental.pallas import tpu as pltpu
from jax.experimental.pallas import tpu_sc as plsc

_NC = 2
_NS = 16
_NW = _NC * _NS
_G = 128
_K = 4
_CHUNK = _G * _K


def kernel(token_ids, embedding_matrix):
    batch, seq = token_ids.shape
    num_ids = batch * seq
    vocab, dim = embedding_matrix.shape

    b_per_w = num_ids // _NW
    n_chunks = b_per_w // _CHUNK
    total_chunks = _NW * n_chunks
    ids3 = token_ids.reshape(total_chunks, _K, _G).astype(jnp.int32)

    mesh = plsc.VectorSubcoreMesh(core_axis_name="c", subcore_axis_name="s")

    @functools.partial(
        pl.kernel,
        mesh=mesh,
        out_type=jax.ShapeDtypeStruct((num_ids, 128), jnp.float32),
        compiler_params=pltpu.CompilerParams(use_tc_tiling_on_sc=False),
        scratch_types=[
            pltpu.VMEM((_K, _G), jnp.int32),
            pltpu.VMEM((_K, _G), jnp.int32),
            pltpu.VMEM((_CHUNK, dim), jnp.float32),
            pltpu.VMEM((_CHUNK, dim), jnp.float32),
            pltpu.SemaphoreType.DMA,
            pltpu.SemaphoreType.DMA,
        ],
    )
    def sc_gather(table_hbm, ids_hbm, out_hbm,
                  idx0, idx1, rows0, rows1, sem0, sem1):
        wid = lax.axis_index("s") * _NC + lax.axis_index("c")
        base = wid * n_chunks

        def fire(c, idx_v, rows_v, sem):
            pltpu.sync_copy(ids_hbm.at[base + c], idx_v)
            for j in range(_K):
                pltpu.async_copy(
                    table_hbm.at[idx_v.at[j]],
                    rows_v.at[pl.ds(j * _G, _G)],
                    sem,
                )

        def drain(c, rows_v, sem):
            for j in range(_K):
                pltpu.make_async_copy(
                    table_hbm.at[idx0.at[j]],
                    rows_v.at[pl.ds(j * _G, _G)],
                    sem,
                ).wait()
            pltpu.sync_copy(
                rows_v,
                out_hbm.at[pl.ds((base + c) * _CHUNK, _CHUNK),
                           pl.ds(0, dim)],
            )

        fire(0, idx0, rows0, sem0)
        fire(1, idx1, rows1, sem1)

        def body(i, carry):
            def even_step():
                drain(i, rows0, sem0)
                pl.when(i + 2 < n_chunks)(
                    lambda: fire(i + 2, idx0, rows0, sem0))

            def odd_step():
                drain(i, rows1, sem1)
                pl.when(i + 2 < n_chunks)(
                    lambda: fire(i + 2, idx1, rows1, sem1))

            lax.cond(i % 2 == 0, even_step, odd_step)
            return carry

        lax.fori_loop(0, n_chunks, body, 0)

    out = sc_gather(embedding_matrix, ids3)
    return out[:, :dim].reshape(batch, seq, dim)

# --- scband reference (transcript-rebuilt; emitter-appended) ---
"""Pipeline reference for scband-embedding-90091234001323 (READ-ONLY COPY).

The authoritative reference and input builder live on the scoring server;
editing this copy changes nothing except your own understanding.
"""

import jax, jax.numpy as jnp
import numpy as np

NUM_EMBEDDINGS = 1000000
EMBEDDING_DIM = 64

def setup_inputs(seed: int = 0) -> dict:
    key = jax.random.key(seed)
    k1, k2 = jax.random.split(key)
    token_ids = jax.random.randint(k1, (4096, 200), 0, NUM_EMBEDDINGS, dtype=jnp.int64 if jax.config.jax_enable_x64 else jnp.int32)
    # trunc_normal_(std=0.02) approximated with truncated normal in [-2, 2] scaled by std
    embedding_matrix = (jax.random.truncated_normal(k2, -2.0, 2.0, (NUM_EMBEDDINGS, EMBEDDING_DIM), dtype=jnp.float32) * 0.02)
    return {"token_ids": token_ids, "embedding_matrix": embedding_matrix}

def reference(token_ids, embedding_matrix):
    # Embedding lookup: gather rows of the table
    return jnp.take(embedding_matrix, token_ids, axis=0)

if __name__ == "__main__":
    import jax
    _d = setup_inputs()
    print(jax.jit(kernel)(*tuple(_d.values())))

</pallas_src>

<mosaic_0001>
#map = affine_map<(d0, d1) -> (0, 0)>
#map1 = affine_map<(d0, d1) -> (0, 0, 0)>
module attributes {stable_mosaic.version = 14 : i64} {
  func.func @sc_gather(%arg0: i32, %arg1: i32, %arg2: memref<1000000x64xf32, #tpu.memory_space<hbm>>, %arg3: memref<1600x4x128xi32, #tpu.memory_space<hbm>>, %arg4: memref<819200x128xf32, #tpu.memory_space<hbm>>, %arg5: memref<4x128xi32, #tpu.memory_space<vmem>>, %arg6: memref<4x128xi32, #tpu.memory_space<vmem>>, %arg7: memref<512x64xf32, #tpu.memory_space<vmem>>, %arg8: memref<512x64xf32, #tpu.memory_space<vmem>>, %arg9: memref<!tpu.dma_semaphore, #tpu.memory_space<semaphore_mem>>, %arg10: memref<!tpu.dma_semaphore, #tpu.memory_space<semaphore_mem>>) attributes {dimension_semantics = [#tpu.dimension_semantics<core_parallel>, #tpu.dimension_semantics<subcore_parallel>], iteration_bounds = array<i64: 2, 16>, scalar_prefetch = 0 : i64, scratch_operands = 6 : i64, tpu.core_type = #tpu.core_type<sc_vector_subcore>, window_params = [{transform_indices = #map}, {transform_indices = #map1}, {transform_indices = #map}]} {
    %mul3A = arith.constant 2 : i32
    %mul3A_0 = arith.muli %arg1, %mul3A : i32
    %add3A = arith.addi %mul3A_0, %arg0 : i32
    %mul3A_1 = arith.constant 50 : i32
    %mul3A_2 = arith.muli %add3A, %mul3A_1 : i32
    %add3A_3 = arith.constant 0 : i32
    %add3A_4 = arith.addi %mul3A_2, %add3A_3 : i32
    "tpu.region"() ({
      %run_scoped3A = tpu.sem_alloc : memref<!tpu.dma_semaphore, #tpu.memory_space<semaphore_mem>>
      %dma_start3A_91 = arith.constant 0 : i32
      %dma_start3A_92 = arith.constant 0 : i32
      %dma_start3A_93 = tpu.memref_slice %arg3[%add3A_4, %dma_start3A_91, %dma_start3A_92] : memref<1600x4x128xi32, #tpu.memory_space<hbm>> -> memref<1x4x128xi32, #tpu.memory_space<hbm>>
      %dma_start3A_94 = tpu.memref_squeeze %dma_start3A_93 : memref<1x4x128xi32, #tpu.memory_space<hbm>> -> memref<4x128xi32, #tpu.memory_space<hbm>>
      %dma_start3A_95 = arith.constant 0 : i32
      %dma_start3A_96 = arith.constant 0 : i32
      %dma_start3A_97 = tpu.memref_slice %arg3[%add3A_4, %dma_start3A_95, %dma_start3A_96] : memref<1600x4x128xi32, #tpu.memory_space<hbm>> -> memref<1x4x128xi32, #tpu.memory_space<hbm>>
      %dma_start3A_98 = tpu.memref_squeeze %dma_start3A_97 : memref<1x4x128xi32, #tpu.memory_space<hbm>> -> memref<4x128xi32, #tpu.memory_space<hbm>>
      tpu.enqueue_dma source(%dma_start3A_98 : memref<4x128xi32, #tpu.memory_space<hbm>>) target(%arg5 : memref<4x128xi32, #tpu.memory_space<vmem>>) target_semaphore(%run_scoped3A : memref<!tpu.dma_semaphore, #tpu.memory_space<semaphore_mem>>)
      %dma_wait3A = arith.constant 0 : i32
      %dma_wait3A_99 = arith.constant 0 : i32
      %dma_wait3A_100 = tpu.memref_slice %arg3[%add3A_4, %dma_wait3A, %dma_wait3A_99] : memref<1600x4x128xi32, #tpu.memory_space<hbm>> -> memref<1x4x128xi32, #tpu.memory_space<hbm>>
      %dma_wait3A_101 = tpu.memref_squeeze %dma_wait3A_100 : memref<1x4x128xi32, #tpu.memory_space<hbm>> -> memref<4x128xi32, #tpu.memory_space<hbm>>
      %dma_wait3A_102 = arith.constant 0 : i32
      %dma_wait3A_103 = arith.constant 0 : i32
      %dma_wait3A_104 = tpu.memref_slice %arg3[%add3A_4, %dma_wait3A_102, %dma_wait3A_103] : memref<1600x4x128xi32, #tpu.memory_space<hbm>> -> memref<1x4x128xi32, #tpu.memory_space<hbm>>
      %dma_wait3A_105 = tpu.memref_squeeze %dma_wait3A_104 : memref<1x4x128xi32, #tpu.memory_space<hbm>> -> memref<4x128xi32, #tpu.memory_space<hbm>>
      tpu.wait_dma2 semaphore(%run_scoped3A : memref<!tpu.dma_semaphore, #tpu.memory_space<semaphore_mem>>) src(%dma_wait3A_105 : memref<4x128xi32, #tpu.memory_space<hbm>>) dst(%arg5 : memref<4x128xi32, #tpu.memory_space<vmem>>)
      tpu.yield
    }) : () -> ()
    %dma_start3A = arith.constant 0 : i32
    %dma_start3A_5 = arith.constant 0 : i32
    %dma_start3A_6 = arith.constant 0 : i32
    %dma_start3A_7 = tpu.memref_slice %arg7[%dma_start3A_5, %dma_start3A_6] : memref<512x64xf32, #tpu.memory_space<vmem>> -> memref<128x64xf32, #tpu.memory_space<vmem>>
    %dma_start3A_8 = arith.constant 0 : i32
    %dma_start3A_9 = tpu.memref_slice %arg5[%dma_start3A, %dma_start3A_8] : memref<4x128xi32, #tpu.memory_space<vmem>> -> memref<1x128xi32, #tpu.memory_space<vmem>>
    %dma_start3A_10 = tpu.memref_squeeze %dma_start3A_9 : memref<1x128xi32, #tpu.memory_space<vmem>> -> memref<128xi32, #tpu.memory_space<vmem>>
    %dma_start3A_11 = arith.constant 0 : i32
    %dma_start3A_12 = arith.constant 0 : i32
    %dma_start3A_13 = tpu.memref_slice %arg2[%dma_start3A_11, %dma_start3A_12] : memref<1000000x64xf32, #tpu.memory_space<hbm>> -> memref<1000000x64xf32, #tpu.memory_space<hbm>>
    tpu.enqueue_indirect_dma source(%dma_start3A_13 : memref<1000000x64xf32, #tpu.memory_space<hbm>>) target(%dma_start3A_7 : memref<128x64xf32, #tpu.memory_space<vmem>>) offsets(%dma_start3A_10 : memref<128xi32, #tpu.memory_space<vmem>>) semaphore(%arg9 : memref<!tpu.dma_semaphore, #tpu.memory_space<semaphore_mem>>)
    %dma_start3A_14 = arith.constant 1 : i32
    %dma_start3A_15 = arith.constant 128 : i32
    %dma_start3A_16 = arith.constant 0 : i32
    %dma_start3A_17 = tpu.memref_slice %arg7[%dma_start3A_15, %dma_start3A_16] : memref<512x64xf32, #tpu.memory_space<vmem>> -> memref<128x64xf32, #tpu.memory_space<vmem>>
    %dma_start3A_18 = arith.constant 0 : i32
    %dma_start3A_19 = tpu.memref_slice %arg5[%dma_start3A_14, %dma_start3A_18] : memref<4x128xi32, #tpu.memory_space<vmem>> -> memref<1x128xi32, #tpu.memory_space<vmem>>
    %dma_start3A_20 = tpu.memref_squeeze %dma_start3A_19 : memref<1x128xi32, #tpu.memory_space<vmem>> -> memref<128xi32, #tpu.memory_space<vmem>>
    %dma_start3A_21 = arith.constant 0 : i32
    %dma_start3A_22 = arith.constant 0 : i32
    %dma_start3A_23 = tpu.memref_slice %arg2[%dma_start3A_21, %dma_start3A_22] : memref<1000000x64xf32, #tpu.memory_space<hbm>> -> memref<1000000x64xf32, #tpu.memory_space<hbm>>
    tpu.enqueue_indirect_dma source(%dma_start3A_23 : memref<1000000x64xf32, #tpu.memory_space<hbm>>) target(%dma_start3A_17 : memref<128x64xf32, #tpu.memory_space<vmem>>) offsets(%dma_start3A_20 : memref<128xi32, #tpu.memory_space<vmem>>) semaphore(%arg9 : memref<!tpu.dma_semaphore, #tpu.memory_space<semaphore_mem>>)
    %dma_start3A_24 = arith.constant 2 : i32
    %dma_start3A_25 = arith.constant 256 : i32
    %dma_start3A_26 = arith.constant 0 : i32
    %dma_start3A_27 = tpu.memref_slice %arg7[%dma_start3A_25, %dma_start3A_26] : memref<512x64xf32, #tpu.memory_space<vmem>> -> memref<128x64xf32, #tpu.memory_space<vmem>>
    %dma_start3A_28 = arith.constant 0 : i32
    %dma_start3A_29 = tpu.memref_slice %arg5[%dma_start3A_24, %dma_start3A_28] : memref<4x128xi32, #tpu.memory_space<vmem>> -> memref<1x128xi32, #tpu.memory_space<vmem>>
    %dma_start3A_30 = tpu.memref_squeeze %dma_start3A_29 : memref<1x128xi32, #tpu.memory_space<vmem>> -> memref<128xi32, #tpu.memory_space<vmem>>
    %dma_start3A_31 = arith.constant 0 : i32
    %dma_start3A_32 = arith.constant 0 : i32
    %dma_start3A_33 = tpu.memref_slice %arg2[%dma_start3A_31, %dma_start3A_32] : memref<1000000x64xf32, #tpu.memory_space<hbm>> -> memref<1000000x64xf32, #tpu.memory_space<hbm>>
    tpu.enqueue_indirect_dma source(%dma_start3A_33 : memref<1000000x64xf32, #tpu.memory_space<hbm>>) target(%dma_start3A_27 : memref<128x64xf32, #tpu.memory_space<vmem>>) offsets(%dma_start3A_30 : memref<128xi32, #tpu.memory_space<vmem>>) semaphore(%arg9 : memref<!tpu.dma_semaphore, #tpu.memory_space<semaphore_mem>>)
    %dma_start3A_34 = arith.constant 3 : i32
    %dma_start3A_35 = arith.constant 384 : i32
    %dma_start3A_36 = arith.constant 0 : i32
    %dma_start3A_37 = tpu.memref_slice %arg7[%dma_start3A_35, %dma_start3A_36] : memref<512x64xf32, #tpu.memory_space<vmem>> -> memref<128x64xf32, #tpu.memory_space<vmem>>
    %dma_start3A_38 = arith.constant 0 : i32
    %dma_start3A_39 = tpu.memref_slice %arg5[%dma_start3A_34, %dma_start3A_38] : memref<4x128xi32, #tpu.memory_space<vmem>> -> memref<1x128xi32, #tpu.memory_space<vmem>>
    %dma_start3A_40 = tpu.memref_squeeze %dma_start3A_39 : memref<1x128xi32, #tpu.memory_space<vmem>> -> memref<128xi32, #tpu.memory_space<vmem>>
    %dma_start3A_41 = arith.constant 0 : i32
    %dma_start3A_42 = arith.constant 0 : i32
    %dma_start3A_43 = tpu.memref_slice %arg2[%dma_start3A_41, %dma_start3A_42] : memref<1000000x64xf32, #tpu.memory_space<hbm>> -> memref<1000000x64xf32, #tpu.memory_space<hbm>>
    tpu.enqueue_indirect_dma source(%dma_start3A_43 : memref<1000000x64xf32, #tpu.memory_space<hbm>>) target(%dma_start3A_37 : memref<128x64xf32, #tpu.memory_space<vmem>>) offsets(%dma_start3A_40 : memref<128xi32, #tpu.memory_space<vmem>>) semaphore(%arg9 : memref<!tpu.dma_semaphore, #tpu.memory_space<semaphore_mem>>)
    %add3A_44 = arith.constant 1 : i32
    %add3A_45 = arith.addi %mul3A_2, %add3A_44 : i32
    "tpu.region"() ({
      %run_scoped3A = tpu.sem_alloc : memref<!tpu.dma_semaphore, #tpu.memory_space<semaphore_mem>>
      %dma_start3A_91 = arith.constant 0 : i32
      %dma_start3A_92 = arith.constant 0 : i32
      %dma_start3A_93 = tpu.memref_slice %arg3[%add3A_45, %dma_start3A_91, %dma_start3A_92] : memref<1600x4x128xi32, #tpu.memory_space<hbm>> -> memref<1x4x128xi32, #tpu.memory_space<hbm>>
      %dma_start3A_94 = tpu.memref_squeeze %dma_start3A_93 : memref<1x4x128xi32, #tpu.memory_space<hbm>> -> memref<4x128xi32, #tpu.memory_space<hbm>>
      %dma_start3A_95 = arith.constant 0 : i32
      %dma_start3A_96 = arith.constant 0 : i32
      %dma_start3A_97 = tpu.memref_slice %arg3[%add3A_45, %dma_start3A_95, %dma_start3A_96] : memref<1600x4x128xi32, #tpu.memory_space<hbm>> -> memref<1x4x128xi32, #tpu.memory_space<hbm>>
      %dma_start3A_98 = tpu.memref_squeeze %dma_start3A_97 : memref<1x4x128xi32, #tpu.memory_space<hbm>> -> memref<4x128xi32, #tpu.memory_space<hbm>>
      tpu.enqueue_dma source(%dma_start3A_98 : memref<4x128xi32, #tpu.memory_space<hbm>>) target(%arg6 : memref<4x128xi32, #tpu.memory_space<vmem>>) target_semaphore(%run_scoped3A : memref<!tpu.dma_semaphore, #tpu.memory_space<semaphore_mem>>)
      %dma_wait3A = arith.constant 0 : i32
      %dma_wait3A_99 = arith.constant 0 : i32
      %dma_wait3A_100 = tpu.memref_slice %arg3[%add3A_45, %dma_wait3A, %dma_wait3A_99] : memref<1600x4x128xi32, #tpu.memory_space<hbm>> -> memref<1x4x128xi32, #tpu.memory_space<hbm>>
      %dma_wait3A_101 = tpu.memref_squeeze %dma_wait3A_100 : memref<1x4x128xi32, #tpu.memory_space<hbm>> -> memref<4x128xi32, #tpu.memory_space<hbm>>
      %dma_wait3A_102 = arith.constant 0 : i32
      %dma_wait3A_103 = arith.constant 0 : i32
      %dma_wait3A_104 = tpu.memref_slice %arg3[%add3A_45, %dma_wait3A_102, %dma_wait3A_103] : memref<1600x4x128xi32, #tpu.memory_space<hbm>> -> memref<1x4x128xi32, #tpu.memory_space<hbm>>
      %dma_wait3A_105 = tpu.memref_squeeze %dma_wait3A_104 : memref<1x4x128xi32, #tpu.memory_space<hbm>> -> memref<4x128xi32, #tpu.memory_space<hbm>>
      tpu.wait_dma2 semaphore(%run_scoped3A : memref<!tpu.dma_semaphore, #tpu.memory_space<semaphore_mem>>) src(%dma_wait3A_105 : memref<4x128xi32, #tpu.memory_space<hbm>>) dst(%arg6 : memref<4x128xi32, #tpu.memory_space<vmem>>)
      tpu.yield
    }) : () -> ()
    %dma_start3A_46 = arith.constant 0 : i32
    %dma_start3A_47 = arith.constant 0 : i32
    %dma_start3A_48 = arith.constant 0 : i32
    %dma_start3A_49 = tpu.memref_slice %arg8[%dma_start3A_47, %dma_start3A_48] : memref<512x64xf32, #tpu.memory_space<vmem>> -> memref<128x64xf32, #tpu.memory_space<vmem>>
    %dma_start3A_50 = arith.constant 0 : i32
    %dma_start3A_51 = tpu.memref_slice %arg6[%dma_start3A_46, %dma_start3A_50] : memref<4x128xi32, #tpu.memory_space<vmem>> -> memref<1x128xi32, #tpu.memory_space<vmem>>
    %dma_start3A_52 = tpu.memref_squeeze %dma_start3A_51 : memref<1x128xi32, #tpu.memory_space<vmem>> -> memref<128xi32, #tpu.memory_space<vmem>>
    %dma_start3A_53 = arith.constant 0 : i32
    %dma_start3A_54 = arith.constant 0 : i32
    %dma_start3A_55 = tpu.memref_slice %arg2[%dma_start3A_53, %dma_start3A_54] : memref<1000000x64xf32, #tpu.memory_space<hbm>> -> memref<1000000x64xf32, #tpu.memory_space<hbm>>
    tpu.enqueue_indirect_dma source(%dma_start3A_55 : memref<1000000x64xf32, #tpu.memory_space<hbm>>) target(%dma_start3A_49 : memref<128x64xf32, #tpu.memory_space<vmem>>) offsets(%dma_start3A_52 : memref<128xi32, #tpu.memory_space<vmem>>) semaphore(%arg10 : memref<!tpu.dma_semaphore, #tpu.memory_space<semaphore_mem>>)
    %dma_start3A_56 = arith.constant 1 : i32
    %dma_start3A_57 = arith.constant 128 : i32
    %dma_start3A_58 = arith.constant 0 : i32
    %dma_start3A_59 = tpu.memref_slice %arg8[%dma_start3A_57, %dma_start3A_58] : memref<512x64xf32, #tpu.memory_space<vmem>> -> memref<128x64xf32, #tpu.memory_space<vmem>>
    %dma_start3A_60 = arith.constant 0 : i32
    %dma_start3A_61 = tpu.memref_slice %arg6[%dma_start3A_56, %dma_start3A_60] : memref<4x128xi32, #tpu.memory_space<vmem>> -> memref<1x128xi32, #tpu.memory_space<vmem>>
    %dma_start3A_62 = tpu.memref_squeeze %dma_start3A_61 : memref<1x128xi32, #tpu.memory_space<vmem>> -> memref<128xi32, #tpu.memory_space<vmem>>
    %dma_start3A_63 = arith.constant 0 : i32
    %dma_start3A_64 = arith.constant 0 : i32
    %dma_start3A_65 = tpu.memref_slice %arg2[%dma_start3A_63, %dma_start3A_64] : memref<1000000x64xf32, #tpu.memory_space<hbm>> -> memref<1000000x64xf32, #tpu.memory_space<hbm>>
    tpu.enqueue_indirect_dma source(%dma_start3A_65 : memref<1000000x64xf32, #tpu.memory_space<hbm>>) target(%dma_start3A_59 : memref<128x64xf32, #tpu.memory_space<vmem>>) offsets(%dma_start3A_62 : memref<128xi32, #tpu.memory_space<vmem>>) semaphore(%arg10 : memref<!tpu.dma_semaphore, #tpu.memory_space<semaphore_mem>>)
    %dma_start3A_66 = arith.constant 2 : i32
    %dma_start3A_67 = arith.constant 256 : i32
    %dma_start3A_68 = arith.constant 0 : i32
    %dma_start3A_69 = tpu.memref_slice %arg8[%dma_start3A_67, %dma_start3A_68] : memref<512x64xf32, #tpu.memory_space<vmem>> -> memref<128x64xf32, #tpu.memory_space<vmem>>
    %dma_start3A_70 = arith.constant 0 : i32
    %dma_start3A_71 = tpu.memref_slice %arg6[%dma_start3A_66, %dma_start3A_70] : memref<4x128xi32, #tpu.memory_space<vmem>> -> memref<1x128xi32, #tpu.memory_space<vmem>>
    %dma_start3A_72 = tpu.memref_squeeze %dma_start3A_71 : memref<1x128xi32, #tpu.memory_space<vmem>> -> memref<128xi32, #tpu.memory_space<vmem>>
    %dma_start3A_73 = arith.constant 0 : i32
    %dma_start3A_74 = arith.constant 0 : i32
    %dma_start3A_75 = tpu.memref_slice %arg2[%dma_start3A_73, %dma_start3A_74] : memref<1000000x64xf32, #tpu.memory_space<hbm>> -> memref<1000000x64xf32, #tpu.memory_space<hbm>>
    tpu.enqueue_indirect_dma source(%dma_start3A_75 : memref<1000000x64xf32, #tpu.memory_space<hbm>>) target(%dma_start3A_69 : memref<128x64xf32, #tpu.memory_space<vmem>>) offsets(%dma_start3A_72 : memref<128xi32, #tpu.memory_space<vmem>>) semaphore(%arg10 : memref<!tpu.dma_semaphore, #tpu.memory_space<semaphore_mem>>)
    %dma_start3A_76 = arith.constant 3 : i32
    %dma_start3A_77 = arith.constant 384 : i32
    %dma_start3A_78 = arith.constant 0 : i32
    %dma_start3A_79 = tpu.memref_slice %arg8[%dma_start3A_77, %dma_start3A_78] : memref<512x64xf32, #tpu.memory_space<vmem>> -> memref<128x64xf32, #tpu.memory_space<vmem>>
    %dma_start3A_80 = arith.constant 0 : i32
    %dma_start3A_81 = tpu.memref_slice %arg6[%dma_start3A_76, %dma_start3A_80] : memref<4x128xi32, #tpu.memory_space<vmem>> -> memref<1x128xi32, #tpu.memory_space<vmem>>
    %dma_start3A_82 = tpu.memref_squeeze %dma_start3A_81 : memref<1x128xi32, #tpu.memory_space<vmem>> -> memref<128xi32, #tpu.memory_space<vmem>>
    %dma_start3A_83 = arith.constant 0 : i32
    %dma_start3A_84 = arith.constant 0 : i32
    %dma_start3A_85 = tpu.memref_slice %arg2[%dma_start3A_83, %dma_start3A_84] : memref<1000000x64xf32, #tpu.memory_space<hbm>> -> memref<1000000x64xf32, #tpu.memory_space<hbm>>
    tpu.enqueue_indirect_dma source(%dma_start3A_85 : memref<1000000x64xf32, #tpu.memory_space<hbm>>) target(%dma_start3A_79 : memref<128x64xf32, #tpu.memory_space<vmem>>) offsets(%dma_start3A_82 : memref<128xi32, #tpu.memory_space<vmem>>) semaphore(%arg10 : memref<!tpu.dma_semaphore, #tpu.memory_space<semaphore_mem>>)
    %scan3A = arith.constant 0 : i32
    %scan3A_86 = arith.constant 0 : i32
    %scan3A_87 = arith.constant 50 : i32
    %scan3A_88 = arith.addi %scan3A_86, %scan3A_87 : i32
    %scan3A_89 = arith.constant 1 : i32
    scf.for %scan3A_91 = %scan3A_86 to %scan3A_88 step %scan3A_89  : i32 {
      %jit3A = arith.constant 2 : i32
      %eq3A = arith.constant 0 : i32
      %eq3A_92 = arith.cmpi eq, %jit3A, %eq3A : i32
      %jit3A_93 = arith.constant 1 : i32
      %select_n3A = arith.select %eq3A_92, %jit3A_93, %jit3A : i32
      %rem3A = arith.remsi %scan3A_91, %select_n3A : i32
      %ne3A = arith.constant 0 : i32
      %ne3A_94 = arith.cmpi ne, %rem3A, %ne3A : i32
      %lt3A = arith.constant 0 : i32
      %lt3A_95 = arith.cmpi slt, %rem3A, %lt3A : i32
      %lt3A_96 = arith.constant 0 : i32
      %lt3A_97 = arith.cmpi slt, %select_n3A, %lt3A_96 : i32
      %ne3A_98 = arith.xori %lt3A_95, %lt3A_97 : i1
      %and3A = arith.andi %ne3A_98, %ne3A_94 : i1
      %add3A_99 = arith.addi %rem3A, %select_n3A : i32
      %select_n3A_100 = arith.select %and3A, %add3A_99, %rem3A : i32
      %eq3A_101 = arith.constant 0 : i32
      %eq3A_102 = arith.cmpi eq, %select_n3A_100, %eq3A_101 : i32
      %convert_element_type3A = arith.extui %eq3A_102 : i1 to i32
      %cond3A = arith.constant 0 : i32
      %cond3A_103 = arith.cmpi ne, %convert_element_type3A, %cond3A : i32
      scf.if %cond3A_103 {
        %dma_wait3A = arith.constant 0 : i32
        %dma_wait3A_104 = arith.constant 0 : i32
        %dma_wait3A_105 = arith.constant 0 : i32
        %dma_wait3A_106 = tpu.memref_slice %arg7[%dma_wait3A_104, %dma_wait3A_105] : memref<512x64xf32, #tpu.memory_space<vmem>> -> memref<128x64xf32, #tpu.memory_space<vmem>>
        %dma_wait3A_107 = arith.constant 0 : i32
        %dma_wait3A_108 = tpu.memref_slice %arg5[%dma_wait3A, %dma_wait3A_107] : memref<4x128xi32, #tpu.memory_space<vmem>> -> memref<1x128xi32, #tpu.memory_space<vmem>>
        %dma_wait3A_109 = tpu.memref_squeeze %dma_wait3A_108 : memref<1x128xi32, #tpu.memory_space<vmem>> -> memref<128xi32, #tpu.memory_space<vmem>>
        %dma_wait3A_110 = arith.constant 0 : i32
        %dma_wait3A_111 = arith.constant 0 : i32
        %dma_wait3A_112 = tpu.memref_slice %arg2[%dma_wait3A_110, %dma_wait3A_111] : memref<1000000x64xf32, #tpu.memory_space<hbm>> -> memref<1000000x64xf32, #tpu.memory_space<hbm>>
        tpu.wait_indirect_dma semaphore(%arg9 : memref<!tpu.dma_semaphore, #tpu.memory_space<semaphore_mem>>) src(%dma_wait3A_112 : memref<1000000x64xf32, #tpu.memory_space<hbm>>) dst(%dma_wait3A_106 : memref<128x64xf32, #tpu.memory_space<vmem>>)
        %dma_wait3A_113 = arith.constant 1 : i32
        %dma_wait3A_114 = arith.constant 128 : i32
        %dma_wait3A_115 = arith.constant 0 : i32
        %dma_wait3A_116 = tpu.memref_slice %arg7[%dma_wait3A_114, %dma_wait3A_115] : memref<512x64xf32, #tpu.memory_space<vmem>> -> memref<128x64xf32, #tpu.memory_space<vmem>>
        %dma_wait3A_117 = arith.constant 0 : i32
        %dma_wait3A_118 = tpu.memref_slice %arg5[%dma_wait3A_113, %dma_wait3A_117] : memref<4x128xi32, #tpu.memory_space<vmem>> -> memref<1x128xi32, #tpu.memory_space<vmem>>
        %dma_wait3A_119 = tpu.memref_squeeze %dma_wait3A_118 : memref<1x128xi32, #tpu.memory_space<vmem>> -> memref<128xi32, #tpu.memory_space<vmem>>
        %dma_wait3A_120 = arith.constant 0 : i32
        %dma_wait3A_121 = arith.constant 0 : i32
        %dma_wait3A_122 = tpu.memref_slice %arg2[%dma_wait3A_120, %dma_wait3A_121] : memref<1000000x64xf32, #tpu.memory_space<hbm>> -> memref<1000000x64xf32, #tpu.memory_space<hbm>>
        tpu.wait_indirect_dma semaphore(%arg9 : memref<!tpu.dma_semaphore, #tpu.memory_space<semaphore_mem>>) src(%dma_wait3A_122 : memref<1000000x64xf32, #tpu.memory_space<hbm>>) dst(%dma_wait3A_116 : memref<128x64xf32, #tpu.memory_space<vmem>>)
        %dma_wait3A_123 = arith.constant 2 : i32
        %dma_wait3A_124 = arith.constant 256 : i32
        %dma_wait3A_125 = arith.constant 0 : i32
        %dma_wait3A_126 = tpu.memref_slice %arg7[%dma_wait3A_124, %dma_wait3A_125] : memref<512x64xf32, #tpu.memory_space<vmem>> -> memref<128x64xf32, #tpu.memory_space<vmem>>
        %dma_wait3A_127 = arith.constant 0 : i32
        %dma_wait3A_128 = tpu.memref_slice %arg5[%dma_wait3A_123, %dma_wait3A_127] : memref<4x128xi32, #tpu.memory_space<vmem>> -> memref<1x128xi32, #tpu.memory_space<vmem>>
        %dma_wait3A_129 = tpu.memref_squeeze %dma_wait3A_128 : memref<1x128xi32, #tpu.memory_space<vmem>> -> memref<128xi32, #tpu.memory_space<vmem>>
        %dma_wait3A_130 = arith.constant 0 : i32
        %dma_wait3A_131 = arith.constant 0 : i32
        %dma_wait3A_132 = tpu.memref_slice %arg2[%dma_wait3A_130, %dma_wait3A_131] : memref<1000000x64xf32, #tpu.memory_space<hbm>> -> memref<1000000x64xf32, #tpu.memory_space<hbm>>
        tpu.wait_indirect_dma semaphore(%arg9 : memref<!tpu.dma_semaphore, #tpu.memory_space<semaphore_mem>>) src(%dma_wait3A_132 : memref<1000000x64xf32, #tpu.memory_space<hbm>>) dst(%dma_wait3A_126 : memref<128x64xf32, #tpu.memory_space<vmem>>)
        %dma_wait3A_133 = arith.constant 3 : i32
        %dma_wait3A_134 = arith.constant 384 : i32
        %dma_wait3A_135 = arith.constant 0 : i32
        %dma_wait3A_136 = tpu.memref_slice %arg7[%dma_wait3A_134, %dma_wait3A_135] : memref<512x64xf32, #tpu.memory_space<vmem>> -> memref<128x64xf32, #tpu.memory_space<vmem>>
        %dma_wait3A_137 = arith.constant 0 : i32
        %dma_wait3A_138 = tpu.memref_slice %arg5[%dma_wait3A_133, %dma_wait3A_137] : memref<4x128xi32, #tpu.memory_space<vmem>> -> memref<1x128xi32, #tpu.memory_space<vmem>>
        %dma_wait3A_139 = tpu.memref_squeeze %dma_wait3A_138 : memref<1x128xi32, #tpu.memory_space<vmem>> -> memref<128xi32, #tpu.memory_space<vmem>>
        %dma_wait3A_140 = arith.constant 0 : i32
        %dma_wait3A_141 = arith.constant 0 : i32
        %dma_wait3A_142 = tpu.memref_slice %arg2[%dma_wait3A_140, %dma_wait3A_141] : memref<1000000x64xf32, #tpu.memory_space<hbm>> -> memref<1000000x64xf32, #tpu.memory_space<hbm>>
        tpu.wait_indirect_dma semaphore(%arg9 : memref<!tpu.dma_semaphore, #tpu.memory_space<semaphore_mem>>) src(%dma_wait3A_142 : memref<1000000x64xf32, #tpu.memory_space<hbm>>) dst(%dma_wait3A_136 : memref<128x64xf32, #tpu.memory_space<vmem>>)
        %add3A_143 = arith.addi %mul3A_2, %scan3A_91 : i32
        %mul3A_144 = arith.constant 512 : i32
        %mul3A_145 = arith.muli %add3A_143, %mul3A_144 : i32
        "tpu.region"() ({
          %run_scoped3A = tpu.sem_alloc : memref<!tpu.dma_semaphore, #tpu.memory_space<semaphore_mem>>
          %dma_start3A_153 = arith.constant 0 : i32
          %dma_start3A_154 = tpu.memref_slice %arg4[%mul3A_145, %dma_start3A_153] : memref<819200x128xf32, #tpu.memory_space<hbm>> -> memref<512x64xf32, #tpu.memory_space<hbm>>
          %dma_start3A_155 = arith.constant 0 : i32
          %dma_start3A_156 = tpu.memref_slice %arg4[%mul3A_145, %dma_start3A_155] : memref<819200x128xf32, #tpu.memory_space<hbm>> -> memref<512x64xf32, #tpu.memory_space<hbm>>
          tpu.enqueue_dma source(%arg7 : memref<512x64xf32, #tpu.memory_space<vmem>>) target(%dma_start3A_156 : memref<512x64xf32, #tpu.memory_space<hbm>>) target_semaphore(%run_scoped3A : memref<!tpu.dma_semaphore, #tpu.memory_space<semaphore_mem>>)
          %dma_wait3A_157 = arith.constant 0 : i32
          %dma_wait3A_158 = tpu.memref_slice %arg4[%mul3A_145, %dma_wait3A_157] : memref<819200x128xf32, #tpu.memory_space<hbm>> -> memref<512x64xf32, #tpu.memory_space<hbm>>
          %dma_wait3A_159 = arith.constant 0 : i32
          %dma_wait3A_160 = tpu.memref_slice %arg4[%mul3A_145, %dma_wait3A_159] : memref<819200x128xf32, #tpu.memory_space<hbm>> -> memref<512x64xf32, #tpu.memory_space<hbm>>
          tpu.wait_dma2 semaphore(%run_scoped3A : memref<!tpu.dma_semaphore, #tpu.memory_space<semaphore_mem>>) src(%arg7 : memref<512x64xf32, #tpu.memory_space<vmem>>) dst(%dma_wait3A_160 : memref<512x64xf32, #tpu.memory_space<hbm>>)
          tpu.yield
        }) : () -> ()
        %add3A_146 = arith.constant 2 : i32
        %add3A_147 = arith.addi %scan3A_91, %add3A_146 : i32
        %lt3A_148 = arith.constant 50 : i32
        %lt3A_149 = arith.cmpi slt, %add3A_147, %lt3A_148 : i32
        %convert_element_type3A_150 = arith.extui %lt3A_149 : i1 to i32
        %cond3A_151 = arith.constant 0 : i32
        %cond3A_152 = arith.cmpi ne, %convert_element_type3A_150, %cond3A_151 : i32
        scf.if %cond3A_152 {
          %add3A_153 = arith.constant 2 : i32
          %add3A_154 = arith.addi %scan3A_91, %add3A_153 : i32
          %add3A_155 = arith.addi %mul3A_2, %add3A_154 : i32
          "tpu.region"() ({
            %run_scoped3A = tpu.sem_alloc : memref<!tpu.dma_semaphore, #tpu.memory_space<semaphore_mem>>
            %dma_start3A_196 = arith.constant 0 : i32
            %dma_start3A_197 = arith.constant 0 : i32
            %dma_start3A_198 = tpu.memref_slice %arg3[%add3A_155, %dma_start3A_196, %dma_start3A_197] : memref<1600x4x128xi32, #tpu.memory_space<hbm>> -> memref<1x4x128xi32, #tpu.memory_space<hbm>>
            %dma_start3A_199 = tpu.memref_squeeze %dma_start3A_198 : memref<1x4x128xi32, #tpu.memory_space<hbm>> -> memref<4x128xi32, #tpu.memory_space<hbm>>
            %dma_start3A_200 = arith.constant 0 : i32
            %dma_start3A_201 = arith.constant 0 : i32
            %dma_start3A_202 = tpu.memref_slice %arg3[%add3A_155, %dma_start3A_200, %dma_start3A_201] : memref<1600x4x128xi32, #tpu.memory_space<hbm>> -> memref<1x4x128xi32, #tpu.memory_space<hbm>>
            %dma_start3A_203 = tpu.memref_squeeze %dma_start3A_202 : memref<1x4x128xi32, #tpu.memory_space<hbm>> -> memref<4x128xi32, #tpu.memory_space<hbm>>
            tpu.enqueue_dma source(%dma_start3A_203 : memref<4x128xi32, #tpu.memory_space<hbm>>) target(%arg5 : memref<4x128xi32, #tpu.memory_space<vmem>>) target_semaphore(%run_scoped3A : memref<!tpu.dma_semaphore, #tpu.memory_space<semaphore_mem>>)
            %dma_wait3A_204 = arith.constant 0 : i32
            %dma_wait3A_205 = arith.constant 0 : i32
            %dma_wait3A_206 = tpu.memref_slice %arg3[%add3A_155, %dma_wait3A_204, %dma_wait3A_205] : memref<1600x4x128xi32, #tpu.memory_space<hbm>> -> memref<1x4x128xi32, #tpu.memory_space<hbm>>
            %dma_wait3A_207 = tpu.memref_squeeze %dma_wait3A_206 : memref<1x4x128xi32, #tpu.memory_space<hbm>> -> memref<4x128xi32, #tpu.memory_space<hbm>>
            %dma_wait3A_208 = arith.constant 0 : i32
            %dma_wait3A_209 = arith.constant 0 : i32
            %dma_wait3A_210 = tpu.memref_slice %arg3[%add3A_155, %dma_wait3A_208, %dma_wait3A_209] : memref<1600x4x128xi32, #tpu.memory_space<hbm>> -> memref<1x4x128xi32, #tpu.memory_space<hbm>>
            %dma_wait3A_211 = tpu.memref_squeeze %dma_wait3A_210 : memref<1x4x128xi32, #tpu.memory_space<hbm>> -> memref<4x128xi32, #tpu.memory_space<hbm>>
            tpu.wait_dma2 semaphore(%run_scoped3A : memref<!tpu.dma_semaphore, #tpu.memory_space<semaphore_mem>>) src(%dma_wait3A_211 : memref<4x128xi32, #tpu.memory_space<hbm>>) dst(%arg5 : memref<4x128xi32, #tpu.memory_space<vmem>>)
            tpu.yield
          }) : () -> ()
          %dma_start3A_156 = arith.constant 0 : i32
          %dma_start3A_157 = arith.constant 0 : i32
          %dma_start3A_158 = arith.constant 0 : i32
          %dma_start3A_159 = tpu.memref_slice %arg7[%dma_start3A_157, %dma_start3A_158] : memref<512x64xf32, #tpu.memory_space<vmem>> -> memref<128x64xf32, #tpu.memory_space<vmem>>
          %dma_start3A_160 = arith.constant 0 : i32
          %dma_start3A_161 = tpu.memref_slice %arg5[%dma_start3A_156, %dma_start3A_160] : memref<4x128xi32, #tpu.memory_space<vmem>> -> memref<1x128xi32, #tpu.memory_space<vmem>>
          %dma_start3A_162 = tpu.memref_squeeze %dma_start3A_161 : memref<1x128xi32, #tpu.memory_space<vmem>> -> memref<128xi32, #tpu.memory_space<vmem>>
          %dma_start3A_163 = arith.constant 0 : i32
          %dma_start3A_164 = arith.constant 0 : i32
          %dma_start3A_165 = tpu.memref_slice %arg2[%dma_start3A_163, %dma_start3A_164] : memref<1000000x64xf32, #tpu.memory_space<hbm>> -> memref<1000000x64xf32, #tpu.memory_space<hbm>>
          tpu.enqueue_indirect_dma source(%dma_start3A_165 : memref<1000000x64xf32, #tpu.memory_space<hbm>>) target(%dma_start3A_159 : memref<128x64xf32, #tpu.memory_space<vmem>>) offsets(%dma_start3A_162 : memref<128xi32, #tpu.memory_space<vmem>>) semaphore(%arg9 : memref<!tpu.dma_semaphore, #tpu.memory_space<semaphore_mem>>)
          %dma_start3A_166 = arith.constant 1 : i32
          %dma_start3A_167 = arith.constant 128 : i32
          %dma_start3A_168 = arith.constant 0 : i32
          %dma_start3A_169 = tpu.memref_slice %arg7[%dma_start3A_167, %dma_start3A_168] : memref<512x64xf32, #tpu.memory_space<vmem>> -> memref<128x64xf32, #tpu.memory_space<vmem>>
          %dma_start3A_170 = arith.constant 0 : i32
          %dma_start3A_171 = tpu.memref_slice %arg5[%dma_start3A_166, %dma_start3A_170] : memref<4x128xi32, #tpu.memory_space<vmem>> -> memref<1x128xi32, #tpu.memory_space<vmem>>
          %dma_start3A_172 = tpu.memref_squeeze %dma_start3A_171 : memref<1x128xi32, #tpu.memory_space<vmem>> -> memref<128xi32, #tpu.memory_space<vmem>>
          %dma_start3A_173 = arith.constant 0 : i32
          %dma_start3A_174 = arith.constant 0 : i32
          %dma_start3A_175 = tpu.memref_slice %arg2[%dma_start3A_173, %dma_start3A_174] : memref<1000000x64xf32, #tpu.memory_space<hbm>> -> memref<1000000x64xf32, #tpu.memory_space<hbm>>
          tpu.enqueue_indirect_dma source(%dma_start3A_175 : memref<1000000x64xf32, #tpu.memory_space<hbm>>) target(%dma_start3A_169 : memref<128x64xf32, #tpu.memory_space<vmem>>) offsets(%dma_start3A_172 : memref<128xi32, #tpu.memory_space<vmem>>) semaphore(%arg9 : memref<!tpu.dma_semaphore, #tpu.memory_space<semaphore_mem>>)
          %dma_start3A_176 = arith.constant 2 : i32
          %dma_start3A_177 = arith.constant 256 : i32
          %dma_start3A_178 = arith.constant 0 : i32
          %dma_start3A_179 = tpu.memref_slice %arg7[%dma_start3A_177, %dma_start3A_178] : memref<512x64xf32, #tpu.memory_space<vmem>> -> memref<128x64xf32, #tpu.memory_space<vmem>>
          %dma_start3A_180 = arith.constant 0 : i32
          %dma_start3A_181 = tpu.memref_slice %arg5[%dma_start3A_176, %dma_start3A_180] : memref<4x128xi32, #tpu.memory_space<vmem>> -> memref<1x128xi32, #tpu.memory_space<vmem>>
          %dma_start3A_182 = tpu.memref_squeeze %dma_start3A_181 : memref<1x128xi32, #tpu.memory_space<vmem>> -> memref<128xi32, #tpu.memory_space<vmem>>
          %dma_start3A_183 = arith.constant 0 : i32
          %dma_start3A_184 = arith.constant 0 : i32
          %dma_start3A_185 = tpu.memref_slice %arg2[%dma_start3A_183, %dma_start3A_184] : memref<1000000x64xf32, #tpu.memory_space<hbm>> -> memref<1000000x64xf32, #tpu.memory_space<hbm>>
          tpu.enqueue_indirect_dma source(%dma_start3A_185 : memref<1000000x64xf32, #tpu.memory_space<hbm>>) target(%dma_start3A_179 : memref<128x64xf32, #tpu.memory_space<vmem>>) offsets(%dma_start3A_182 : memref<128xi32, #tpu.memory_space<vmem>>) semaphore(%arg9 : memref<!tpu.dma_semaphore, #tpu.memory_space<semaphore_mem>>)
          %dma_start3A_186 = arith.constant 3 : i32
          %dma_start3A_187 = arith.constant 384 : i32
          %dma_start3A_188 = arith.constant 0 : i32
          %dma_start3A_189 = tpu.memref_slice %arg7[%dma_start3A_187, %dma_start3A_188] : memref<512x64xf32, #tpu.memory_space<vmem>> -> memref<128x64xf32, #tpu.memory_space<vmem>>
          %dma_start3A_190 = arith.constant 0 : i32
          %dma_start3A_191 = tpu.memref_slice %arg5[%dma_start3A_186, %dma_start3A_190] : memref<4x128xi32, #tpu.memory_space<vmem>> -> memref<1x128xi32, #tpu.memory_space<vmem>>
          %dma_start3A_192 = tpu.memref_squeeze %dma_start3A_191 : memref<1x128xi32, #tpu.memory_space<vmem>> -> memref<128xi32, #tpu.memory_space<vmem>>
          %dma_start3A_193 = arith.constant 0 : i32
          %dma_start3A_194 = arith.constant 0 : i32
          %dma_start3A_195 = tpu.memref_slice %arg2[%dma_start3A_193, %dma_start3A_194] : memref<1000000x64xf32, #tpu.memory_space<hbm>> -> memref<1000000x64xf32, #tpu.memory_space<hbm>>
          tpu.enqueue_indirect_dma source(%dma_start3A_195 : memref<1000000x64xf32, #tpu.memory_space<hbm>>) target(%dma_start3A_189 : memref<128x64xf32, #tpu.memory_space<vmem>>) offsets(%dma_start3A_192 : memref<128xi32, #tpu.memory_space<vmem>>) semaphore(%arg9 : memref<!tpu.dma_semaphore, #tpu.memory_space<semaphore_mem>>)
        } else {
        }
      } else {
        %dma_wait3A = arith.constant 0 : i32
        %dma_wait3A_104 = arith.constant 0 : i32
        %dma_wait3A_105 = arith.constant 0 : i32
        %dma_wait3A_106 = tpu.memref_slice %arg8[%dma_wait3A_104, %dma_wait3A_105] : memref<512x64xf32, #tpu.memory_space<vmem>> -> memref<128x64xf32, #tpu.memory_space<vmem>>
        %dma_wait3A_107 = arith.constant 0 : i32
        %dma_wait3A_108 = tpu.memref_slice %arg5[%dma_wait3A, %dma_wait3A_107] : memref<4x128xi32, #tpu.memory_space<vmem>> -> memref<1x128xi32, #tpu.memory_space<vmem>>
        %dma_wait3A_109 = tpu.memref_squeeze %dma_wait3A_108 : memref<1x128xi32, #tpu.memory_space<vmem>> -> memref<128xi32, #tpu.memory_space<vmem>>
        %dma_wait3A_110 = arith.constant 0 : i32
        %dma_wait3A_111 = arith.constant 0 : i32
        %dma_wait3A_112 = tpu.memref_slice %arg2[%dma_wait3A_110, %dma_wait3A_111] : memref<1000000x64xf32, #tpu.memory_space<hbm>> -> memref<1000000x64xf32, #tpu.memory_space<hbm>>
        tpu.wait_indirect_dma semaphore(%arg10 : memref<!tpu.dma_semaphore, #tpu.memory_space<semaphore_mem>>) src(%dma_wait3A_112 : memref<1000000x64xf32, #tpu.memory_space<hbm>>) dst(%dma_wait3A_106 : memref<128x64xf32, #tpu.memory_space<vmem>>)
        %dma_wait3A_113 = arith.constant 1 : i32
        %dma_wait3A_114 = arith.constant 128 : i32
        %dma_wait3A_115 = arith.constant 0 : i32
        %dma_wait3A_116 = tpu.memref_slice %arg8[%dma_wait3A_114, %dma_wait3A_115] : memref<512x64xf32, #tpu.memory_space<vmem>> -> memref<128x64xf32, #tpu.memory_space<vmem>>
        %dma_wait3A_117 = arith.constant 0 : i32
        %dma_wait3A_118 = tpu.memref_slice %arg5[%dma_wait3A_113, %dma_wait3A_117] : memref<4x128xi32, #tpu.memory_space<vmem>> -> memref<1x128xi32, #tpu.memory_space<vmem>>
        %dma_wait3A_119 = tpu.memref_squeeze %dma_wait3A_118 : memref<1x128xi32, #tpu.memory_space<vmem>> -> memref<128xi32, #tpu.memory_space<vmem>>
        %dma_wait3A_120 = arith.constant 0 : i32
        %dma_wait3A_121 = arith.constant 0 : i32
        %dma_wait3A_122 = tpu.memref_slice %arg2[%dma_wait3A_120, %dma_wait3A_121] : memref<1000000x64xf32, #tpu.memory_space<hbm>> -> memref<1000000x64xf32, #tpu.memory_space<hbm>>
        tpu.wait_indirect_dma semaphore(%arg10 : memref<!tpu.dma_semaphore, #tpu.memory_space<semaphore_mem>>) src(%dma_wait3A_122 : memref<1000000x64xf32, #tpu.memory_space<hbm>>) dst(%dma_wait3A_116 : memref<128x64xf32, #tpu.memory_space<vmem>>)
        %dma_wait3A_123 = arith.constant 2 : i32
        %dma_wait3A_124 = arith.constant 256 : i32
        %dma_wait3A_125 = arith.constant 0 : i32
        %dma_wait3A_126 = tpu.memref_slice %arg8[%dma_wait3A_124, %dma_wait3A_125] : memref<512x64xf32, #tpu.memory_space<vmem>> -> memref<128x64xf32, #tpu.memory_space<vmem>>
        %dma_wait3A_127 = arith.constant 0 : i32
        %dma_wait3A_128 = tpu.memref_slice %arg5[%dma_wait3A_123, %dma_wait3A_127] : memref<4x128xi32, #tpu.memory_space<vmem>> -> memref<1x128xi32, #tpu.memory_space<vmem>>
        %dma_wait3A_129 = tpu.memref_squeeze %dma_wait3A_128 : memref<1x128xi32, #tpu.memory_space<vmem>> -> memref<128xi32, #tpu.memory_space<vmem>>
        %dma_wait3A_130 = arith.constant 0 : i32
        %dma_wait3A_131 = arith.constant 0 : i32
        %dma_wait3A_132 = tpu.memref_slice %arg2[%dma_wait3A_130, %dma_wait3A_131] : memref<1000000x64xf32, #tpu.memory_space<hbm>> -> memref<1000000x64xf32, #tpu.memory_space<hbm>>
        tpu.wait_indirect_dma semaphore(%arg10 : memref<!tpu.dma_semaphore, #tpu.memory_space<semaphore_mem>>) src(%dma_wait3A_132 : memref<1000000x64xf32, #tpu.memory_space<hbm>>) dst(%dma_wait3A_126 : memref<128x64xf32, #tpu.memory_space<vmem>>)
        %dma_wait3A_133 = arith.constant 3 : i32
        %dma_wait3A_134 = arith.constant 384 : i32
        %dma_wait3A_135 = arith.constant 0 : i32
        %dma_wait3A_136 = tpu.memref_slice %arg8[%dma_wait3A_134, %dma_wait3A_135] : memref<512x64xf32, #tpu.memory_space<vmem>> -> memref<128x64xf32, #tpu.memory_space<vmem>>
        %dma_wait3A_137 = arith.constant 0 : i32
        %dma_wait3A_138 = tpu.memref_slice %arg5[%dma_wait3A_133, %dma_wait3A_137] : memref<4x128xi32, #tpu.memory_space<vmem>> -> memref<1x128xi32, #tpu.memory_space<vmem>>
        %dma_wait3A_139 = tpu.memref_squeeze %dma_wait3A_138 : memref<1x128xi32, #tpu.memory_space<vmem>> -> memref<128xi32, #tpu.memory_space<vmem>>
        %dma_wait3A_140 = arith.constant 0 : i32
        %dma_wait3A_141 = arith.constant 0 : i32
        %dma_wait3A_142 = tpu.memref_slice %arg2[%dma_wait3A_140, %dma_wait3A_141] : memref<1000000x64xf32, #tpu.memory_space<hbm>> -> memref<1000000x64xf32, #tpu.memory_space<hbm>>
        tpu.wait_indirect_dma semaphore(%arg10 : memref<!tpu.dma_semaphore, #tpu.memory_space<semaphore_mem>>) src(%dma_wait3A_142 : memref<1000000x64xf32, #tpu.memory_space<hbm>>) dst(%dma_wait3A_136 : memref<128x64xf32, #tpu.memory_space<vmem>>)
        %add3A_143 = arith.addi %mul3A_2, %scan3A_91 : i32
        %mul3A_144 = arith.constant 512 : i32
        %mul3A_145 = arith.muli %add3A_143, %mul3A_144 : i32
        "tpu.region"() ({
          %run_scoped3A = tpu.sem_alloc : memref<!tpu.dma_semaphore, #tpu.memory_space<semaphore_mem>>
          %dma_start3A_153 = arith.constant 0 : i32
          %dma_start3A_154 = tpu.memref_slice %arg4[%mul3A_145, %dma_start3A_153] : memref<819200x128xf32, #tpu.memory_space<hbm>> -> memref<512x64xf32, #tpu.memory_space<hbm>>
          %dma_start3A_155 = arith.constant 0 : i32
          %dma_start3A_156 = tpu.memref_slice %arg4[%mul3A_145, %dma_start3A_155] : memref<819200x128xf32, #tpu.memory_space<hbm>> -> memref<512x64xf32, #tpu.memory_space<hbm>>
          tpu.enqueue_dma source(%arg8 : memref<512x64xf32, #tpu.memory_space<vmem>>) target(%dma_start3A_156 : memref<512x64xf32, #tpu.memory_space<hbm>>) target_semaphore(%run_scoped3A : memref<!tpu.dma_semaphore, #tpu.memory_space<semaphore_mem>>)
          %dma_wait3A_157 = arith.constant 0 : i32
          %dma_wait3A_158 = tpu.memref_slice %arg4[%mul3A_145, %dma_wait3A_157] : memref<819200x128xf32, #tpu.memory_space<hbm>> -> memref<512x64xf32, #tpu.memory_space<hbm>>
          %dma_wait3A_159 = arith.constant 0 : i32
          %dma_wait3A_160 = tpu.memref_slice %arg4[%mul3A_145, %dma_wait3A_159] : memref<819200x128xf32, #tpu.memory_space<hbm>> -> memref<512x64xf32, #tpu.memory_space<hbm>>
          tpu.wait_dma2 semaphore(%run_scoped3A : memref<!tpu.dma_semaphore, #tpu.memory_space<semaphore_mem>>) src(%arg8 : memref<512x64xf32, #tpu.memory_space<vmem>>) dst(%dma_wait3A_160 : memref<512x64xf32, #tpu.memory_space<hbm>>)
          tpu.yield
        }) : () -> ()
        %add3A_146 = arith.constant 2 : i32
        %add3A_147 = arith.addi %scan3A_91, %add3A_146 : i32
        %lt3A_148 = arith.constant 50 : i32
        %lt3A_149 = arith.cmpi slt, %add3A_147, %lt3A_148 : i32
        %convert_element_type3A_150 = arith.extui %lt3A_149 : i1 to i32
        %cond3A_151 = arith.constant 0 : i32
        %cond3A_152 = arith.cmpi ne, %convert_element_type3A_150, %cond3A_151 : i32
        scf.if %cond3A_152 {
          %add3A_153 = arith.constant 2 : i32
          %add3A_154 = arith.addi %scan3A_91, %add3A_153 : i32
          %add3A_155 = arith.addi %mul3A_2, %add3A_154 : i32
          "tpu.region"() ({
            %run_scoped3A = tpu.sem_alloc : memref<!tpu.dma_semaphore, #tpu.memory_space<semaphore_mem>>
            %dma_start3A_196 = arith.constant 0 : i32
            %dma_start3A_197 = arith.constant 0 : i32
            %dma_start3A_198 = tpu.memref_slice %arg3[%add3A_155, %dma_start3A_196, %dma_start3A_197] : memref<1600x4x128xi32, #tpu.memory_space<hbm>> -> memref<1x4x128xi32, #tpu.memory_space<hbm>>
            %dma_start3A_199 = tpu.memref_squeeze %dma_start3A_198 : memref<1x4x128xi32, #tpu.memory_space<hbm>> -> memref<4x128xi32, #tpu.memory_space<hbm>>
            %dma_start3A_200 = arith.constant 0 : i32
            %dma_start3A_201 = arith.constant 0 : i32
            %dma_start3A_202 = tpu.memref_slice %arg3[%add3A_155, %dma_start3A_200, %dma_start3A_201] : memref<1600x4x128xi32, #tpu.memory_space<hbm>> -> memref<1x4x128xi32, #tpu.memory_space<hbm>>
            %dma_start3A_203 = tpu.memref_squeeze %dma_start3A_202 : memref<1x4x128xi32, #tpu.memory_space<hbm>> -> memref<4x128xi32, #tpu.memory_space<hbm>>
            tpu.enqueue_dma source(%dma_start3A_203 : memref<4x128xi32, #tpu.memory_space<hbm>>) target(%arg6 : memref<4x128xi32, #tpu.memory_space<vmem>>) target_semaphore(%run_scoped3A : memref<!tpu.dma_semaphore, #tpu.memory_space<semaphore_mem>>)
            %dma_wait3A_204 = arith.constant 0 : i32
            %dma_wait3A_205 = arith.constant 0 : i32
            %dma_wait3A_206 = tpu.memref_slice %arg3[%add3A_155, %dma_wait3A_204, %dma_wait3A_205] : memref<1600x4x128xi32, #tpu.memory_space<hbm>> -> memref<1x4x128xi32, #tpu.memory_space<hbm>>
            %dma_wait3A_207 = tpu.memref_squeeze %dma_wait3A_206 : memref<1x4x128xi32, #tpu.memory_space<hbm>> -> memref<4x128xi32, #tpu.memory_space<hbm>>
            %dma_wait3A_208 = arith.constant 0 : i32
            %dma_wait3A_209 = arith.constant 0 : i32
            %dma_wait3A_210 = tpu.memref_slice %arg3[%add3A_155, %dma_wait3A_208, %dma_wait3A_209] : memref<1600x4x128xi32, #tpu.memory_space<hbm>> -> memref<1x4x128xi32, #tpu.memory_space<hbm>>
            %dma_wait3A_211 = tpu.memref_squeeze %dma_wait3A_210 : memref<1x4x128xi32, #tpu.memory_space<hbm>> -> memref<4x128xi32, #tpu.memory_space<hbm>>
            tpu.wait_dma2 semaphore(%run_scoped3A : memref<!tpu.dma_semaphore, #tpu.memory_space<semaphore_mem>>) src(%dma_wait3A_211 : memref<4x128xi32, #tpu.memory_space<hbm>>) dst(%arg6 : memref<4x128xi32, #tpu.memory_space<vmem>>)
            tpu.yield
          }) : () -> ()
          %dma_start3A_156 = arith.constant 0 : i32
          %dma_start3A_157 = arith.constant 0 : i32
          %dma_start3A_158 = arith.constant 0 : i32
          %dma_start3A_159 = tpu.memref_slice %arg8[%dma_start3A_157, %dma_start3A_158] : memref<512x64xf32, #tpu.memory_space<vmem>> -> memref<128x64xf32, #tpu.memory_space<vmem>>
          %dma_start3A_160 = arith.constant 0 : i32
          %dma_start3A_161 = tpu.memref_slice %arg6[%dma_start3A_156, %dma_start3A_160] : memref<4x128xi32, #tpu.memory_space<vmem>> -> memref<1x128xi32, #tpu.memory_space<vmem>>
          %dma_start3A_162 = tpu.memref_squeeze %dma_start3A_161 : memref<1x128xi32, #tpu.memory_space<vmem>> -> memref<128xi32, #tpu.memory_space<vmem>>
          %dma_start3A_163 = arith.constant 0 : i32
          %dma_start3A_164 = arith.constant 0 : i32
          %dma_start3A_165 = tpu.memref_slice %arg2[%dma_start3A_163, %dma_start3A_164] : memref<1000000x64xf32, #tpu.memory_space<hbm>> -> memref<1000000x64xf32, #tpu.memory_space<hbm>>
          tpu.enqueue_indirect_dma source(%dma_start3A_165 : memref<1000000x64xf32, #tpu.memory_space<hbm>>) target(%dma_start3A_159 : memref<128x64xf32, #tpu.memory_space<vmem>>) offsets(%dma_start3A_162 : memref<128xi32, #tpu.memory_space<vmem>>) semaphore(%arg10 : memref<!tpu.dma_semaphore, #tpu.memory_space<semaphore_mem>>)
          %dma_start3A_166 = arith.constant 1 : i32
          %dma_start3A_167 = arith.constant 128 : i32
          %dma_start3A_168 = arith.constant 0 : i32
          %dma_start3A_169 = tpu.memref_slice %arg8[%dma_start3A_167, %dma_start3A_168] : memref<512x64xf32, #tpu.memory_space<vmem>> -> memref<128x64xf32, #tpu.memory_space<vmem>>
          %dma_start3A_170 = arith.constant 0 : i32
          %dma_start3A_171 = tpu.memref_slice %arg6[%dma_start3A_166, %dma_start3A_170] : memref<4x128xi32, #tpu.memory_space<vmem>> -> memref<1x128xi32, #tpu.memory_space<vmem>>
          %dma_start3A_172 = tpu.memref_squeeze %dma_start3A_171 : memref<1x128xi32, #tpu.memory_space<vmem>> -> memref<128xi32, #tpu.memory_space<vmem>>
          %dma_start3A_173 = arith.constant 0 : i32
          %dma_start3A_174 = arith.constant 0 : i32
          %dma_start3A_175 = tpu.memref_slice %arg2[%dma_start3A_173, %dma_start3A_174] : memref<1000000x64xf32, #tpu.memory_space<hbm>> -> memref<1000000x64xf32, #tpu.memory_space<hbm>>
          tpu.enqueue_indirect_dma source(%dma_start3A_175 : memref<1000000x64xf32, #tpu.memory_space<hbm>>) target(%dma_start3A_169 : memref<128x64xf32, #tpu.memory_space<vmem>>) offsets(%dma_start3A_172 : memref<128xi32, #tpu.memory_space<vmem>>) semaphore(%arg10 : memref<!tpu.dma_semaphore, #tpu.memory_space<semaphore_mem>>)
          %dma_start3A_176 = arith.constant 2 : i32
          %dma_start3A_177 = arith.constant 256 : i32
          %dma_start3A_178 = arith.constant 0 : i32
          %dma_start3A_179 = tpu.memref_slice %arg8[%dma_start3A_177, %dma_start3A_178] : memref<512x64xf32, #tpu.memory_space<vmem>> -> memref<128x64xf32, #tpu.memory_space<vmem>>
          %dma_start3A_180 = arith.constant 0 : i32
          %dma_start3A_181 = tpu.memref_slice %arg6[%dma_start3A_176, %dma_start3A_180] : memref<4x128xi32, #tpu.memory_space<vmem>> -> memref<1x128xi32, #tpu.memory_space<vmem>>
          %dma_start3A_182 = tpu.memref_squeeze %dma_start3A_181 : memref<1x128xi32, #tpu.memory_space<vmem>> -> memref<128xi32, #tpu.memory_space<vmem>>
          %dma_start3A_183 = arith.constant 0 : i32
          %dma_start3A_184 = arith.constant 0 : i32
          %dma_start3A_185 = tpu.memref_slice %arg2[%dma_start3A_183, %dma_start3A_184] : memref<1000000x64xf32, #tpu.memory_space<hbm>> -> memref<1000000x64xf32, #tpu.memory_space<hbm>>
          tpu.enqueue_indirect_dma source(%dma_start3A_185 : memref<1000000x64xf32, #tpu.memory_space<hbm>>) target(%dma_start3A_179 : memref<128x64xf32, #tpu.memory_space<vmem>>) offsets(%dma_start3A_182 : memref<128xi32, #tpu.memory_space<vmem>>) semaphore(%arg10 : memref<!tpu.dma_semaphore, #tpu.memory_space<semaphore_mem>>)
          %dma_start3A_186 = arith.constant 3 : i32
          %dma_start3A_187 = arith.constant 384 : i32
          %dma_start3A_188 = arith.constant 0 : i32
          %dma_start3A_189 = tpu.memref_slice %arg8[%dma_start3A_187, %dma_start3A_188] : memref<512x64xf32, #tpu.memory_space<vmem>> -> memref<128x64xf32, #tpu.memory_space<vmem>>
          %dma_start3A_190 = arith.constant 0 : i32
          %dma_start3A_191 = tpu.memref_slice %arg6[%dma_start3A_186, %dma_start3A_190] : memref<4x128xi32, #tpu.memory_space<vmem>> -> memref<1x128xi32, #tpu.memory_space<vmem>>
          %dma_start3A_192 = tpu.memref_squeeze %dma_start3A_191 : memref<1x128xi32, #tpu.memory_space<vmem>> -> memref<128xi32, #tpu.memory_space<vmem>>
          %dma_start3A_193 = arith.constant 0 : i32
          %dma_start3A_194 = arith.constant 0 : i32
          %dma_start3A_195 = tpu.memref_slice %arg2[%dma_start3A_193, %dma_start3A_194] : memref<1000000x64xf32, #tpu.memory_space<hbm>> -> memref<1000000x64xf32, #tpu.memory_space<hbm>>
          tpu.enqueue_indirect_dma source(%dma_start3A_195 : memref<1000000x64xf32, #tpu.memory_space<hbm>>) target(%dma_start3A_189 : memref<128x64xf32, #tpu.memory_space<vmem>>) offsets(%dma_start3A_192 : memref<128xi32, #tpu.memory_space<vmem>>) semaphore(%arg10 : memref<!tpu.dma_semaphore, #tpu.memory_space<semaphore_mem>>)
        } else {
        }
      }
    }
    %scan3A_90 = arith.constant 50 : i32
    return
  }
}

</mosaic_0001>

<sc_bundles>
// kernel: kernel.3.cloned.1.call-start
scs
__scs_entry_jumppad:
0x0: {  	(pc) =	sbr.rel $0x88, $3  }
0x1: {  	(tag) =	ssettag $0x0;
	lr =	simm.s32 $0x1  }
0x2: {  	[smem:$0x3F9F] =	sst lr;
	_ =	strace $0xD0000000  }
0x3: {  	_ = 	snop  }
0x4: {  	_ = 	snop  }
0x5: {  	_ = 	snop  }
0x6: {  	_ = 	snop  }
0x7: {  	_ = 	snop  }
__scs_overlays_trampoline_lowered:
0x8: {  	[smem:$0x3FAE] =	sst s0  }
0x9: {  	[smem:$0x3FAF] =	sst s1  }
0xa: {  	[smem:$0x3FB0] =	sst s2  }
0xb: {  	[smem:$0x3FB1] =	sst s3  }
0xc: {  	[smem:$0x3FB2] =	sst s4  }
0xd: {  	[smem:$0x3FB3] =	sst s5  }
0xe: {  	[smem:$0x3FB4] =	sst s6  }
0xf: {  	[smem:$0x3FB5] =	sst s7  }
0x10: {  	[smem:$0x3FB6] =	sst s8  }
0x11: {  	[smem:$0x3FB7] =	sst s9;
	s0 =	simm.s32 @!p0 $0x0  }
0x12: {  	s1 =	sld [smem:$0x3F9D];
	s0 =	simm.s32 @p0 $0x1  }
0x13: {  	[smem:$0x3FB8] =	sst s0;
	s0 =	simm.s32 @!p1 $0x0  }
0x14: {  	s2 =	sld [smem:$0x3F9C];
	s0 =	simm.s32 @p1 $0x1  }
0x15: {  	[smem:$0x3FB9] =	sst s0;
	s0 =	simm.s32 @!p2 $0x0  }
0x16: {  	s3 =	sld [smem:$0x3FDB];
	s0 =	simm.s32 @p2 $0x1  }
0x17: {  	s4 =	simm.s32 $0x1BF5;
	[smem:$0x3FBB] =	sst s0  }
0x18: {  	s0 =	sld [smem:$0x3F9E];
	_ =	swait.ge [sflag:s4], $0x0  }
0x19: {  	s7 =	sld [smem:$0x3F9F]  }
0x1a: {  	s8 =	sadd.s32 $0xFFFFE003, lr  }
0x1b: {  	s9 =	sadd.s32 $0xFFFFFEF7, lr;
	s5 =	simm.s32 $0xFFFFFFFF;
	p2 =	slt.u32 s8, $0xFFFFF086  }
0x1c: {  	p1 =	slt.u32 s9, $0xF7A;
	s5 =	simm.s32 @!p2 $0x0  }
0x1d: {  	s5 =	simm.s32 @p1 $0x1;
	p0 =	seq.s32 s7, s2  }
0x1e: {  	s7 =	smul.u32 @!p0 $0xF7A, s2;
	p2 =	seq.s32 @!p0 s5, $0x0  }
0x1f: {  	s9 =	smul.u32 $0xF7A, s1;
	s8 =	simm.s32 @!p0 $0x1BF5;
	p2 =	por !p2, p0  }
0x20: {  	[sflag:s8] =	ssyncset.s32 @!p0 $0xFFFFF086;
	s6 =	sadd.s32 @!p0 s3, s7;
	s7 =	simm.s32 @!p0 $0x108  }
0x21: {  	s3 =	sadd.s32 s3, s9;
	s6 =	sadd.s32 @!p0 $0x88, s6;
	s7 =	simm.s32 @p2 $0x1082  }
0x22: {  	[simem:s7], [sflag:s8] =	dma.local @!p0 [hbm:s6], $0xF7A  }
0x23: {  	s9 =	sor.u32 $0xD0000000, s2;
	s6 =	simm.s32 $0x108;
	_ =	swait.ge @!p0 [sflag:s8], $0x0  }
0x24: {  	s3 =	sadd.s32 $0x88, s3;
	s6 =	simm.s32 @!p1 $0x1082;
	[sflag:s4] =	ssyncset.s32 $0xFFFFF086  }
0x25: {  	[simem:s6], [sflag:s4] =	dma.local [hbm:s3], $0xF7A  }
0x26: {  	[smem:$0x3F9F] =	sst s1;
	(tag) =	ssettag s2;
	_ =	strace s9  }
0x27: {  	s1 =	sld [smem:$0x3FAF]  }
0x28: {  	s2 =	sld [smem:$0x3FB0]  }
0x29: {  	s4 =	sld [smem:$0x3FB2]  }
0x2a: {  	p0 =	seq.s32 s5, $0x0;
	s5 =	sld [smem:$0x3FB3]  }
0x2b: {  	s6 =	sld [smem:$0x3FB4]  }
0x2c: {  	s7 =	sld [smem:$0x3FB5]  }
0x2d: {  	s3 =	simm.s32 $0x108;
	s8 =	sld [smem:$0x3FB6]  }
0x2e: {  	s3 =	simm.s32 @!p0 $0x1082;
	s9 =	sld [smem:$0x3FB7]  }
0x2f: {  	lr =	sadd.s32 s0, s3;
	s0 =	sld [smem:$0x3FAE]  }
0x30: {  	s3 =	sld [smem:$0x3FB1]  }
0x31: {  	[smem:$0x3FBA] =	sst s10  }
0x32: {  	s10 =	sld [smem:$0x3FB8];
	_ =	sdelay $0x3  }
0x33: {  	p0 =	seq.s32 s10, $0x1;
	s10 =	sld [smem:$0x3FBA];
	_ =	sdelay $0x3  }
0x34: {  	[smem:$0x3FBA] =	sst s10  }
0x35: {  	s10 =	sld [smem:$0x3FB9];
	_ =	sdelay $0x3  }
0x36: {  	p1 =	seq.s32 s10, $0x1;
	s10 =	sld [smem:$0x3FBA];
	_ =	sdelay $0x3  }
0x37: {  	[smem:$0x3FBA] =	sst s10  }
0x38: {  	s10 =	sld [smem:$0x3FBB]  }
0x39: {  	_ = 	snop;
	(pc) =	sbr.ind lr, $3  }
0x3a: {  	_ = 	snop  }
0x3b: {  	_ = 	snop  }
0x3c: {  	p2 =	seq.s32 s10, $0x1;
	s10 =	sld [smem:$0x3FBA]  }
0x3d: {  	_ =	shalt  }
0x3e: {  	_ =	shalt  }
0x3f: {  	_ =	shalt  }
0x40: {  	_ =	shalt  }
0x41: {  	_ =	shalt  }
0x42: {  	_ =	shalt  }
0x43: {  	_ =	shalt  }
0x44: {  	_ =	shalt  }
0x45: {  	_ =	shalt  }
0x46: {  	_ =	shalt  }
0x47: {  	_ =	shalt  }
0x48: {  	_ =	shalt  }
0x49: {  	_ =	shalt  }
0x4a: {  	_ =	shalt  }
0x4b: {  	_ =	shalt  }
0x4c: {  	_ =	shalt  }
0x4d: {  	_ =	shalt  }
0x4e: {  	_ =	shalt  }
0x4f: {  	_ =	shalt  }
0x50: {  	_ =	shalt  }
0x51: {  	_ =	shalt  }
0x52: {  	_ =	shalt  }
0x53: {  	_ =	shalt  }
0x54: {  	_ =	shalt  }
0x55: {  	_ =	shalt  }
0x56: {  	_ =	shalt  }
0x57: {  	_ =	shalt  }
0x58: {  	_ =	shalt  }
0x59: {  	_ =	shalt  }
0x5a: {  	_ =	shalt  }
0x5b: {  	_ =	shalt  }
0x5c: {  	_ =	shalt  }
0x5d: {  	_ =	shalt  }
0x5e: {  	_ =	shalt  }
0x5f: {  	_ =	shalt  }
0x60: {  	_ =	shalt  }
0x61: {  	_ =	shalt  }
0x62: {  	_ =	shalt  }
0x63: {  	_ =	shalt  }
0x64: {  	_ =	shalt  }
0x65: {  	_ =	shalt  }
0x66: {  	_ =	shalt  }
0x67: {  	_ =	shalt  }
0x68: {  	_ =	shalt  }
0x69: {  	_ =	shalt  }
0x6a: {  	_ =	shalt  }
0x6b: {  	_ =	shalt  }
0x6c: {  	_ =	shalt  }
0x6d: {  	_ =	shalt  }
0x6e: {  	_ =	shalt  }
0x6f: {  	_ =	shalt  }
0x70: {  	_ =	shalt  }
0x71: {  	_ =	shalt  }
0x72: {  	_ =	shalt  }
0x73: {  	_ =	shalt  }
0x74: {  	_ =	shalt  }
0x75: {  	_ =	shalt  }
0x76: {  	_ =	shalt  }
0x77: {  	_ =	shalt  }
0x78: {  	_ =	shalt  }
0x79: {  	_ =	shalt  }
0x7a: {  	_ =	shalt  }
0x7b: {  	_ =	shalt  }
0x7c: {  	_ =	shalt  }
0x7d: {  	_ =	shalt  }
0x7e: {  	_ =	shalt  }
0x7f: {  	_ =	shalt  }
0x80: {  	_ =	shalt  }
0x81: {  	_ =	shalt  }
0x82: {  	_ =	shalt  }
0x83: {  	_ =	shalt  }
0x84: {  	_ =	shalt  }
0x85: {  	_ =	shalt  }
0x86: {  	_ =	shalt  }
0x87: {  	_ =	shalt  }
.Lfunc_end0:
.L_simem_size_0:
called_computation.1_lowered:
.L_overlay_start_0:
0x88: {  	s2 =	sld [smem:$0x3FD9]  }
0x89: {  	s3 =	sld [smem:$0x3FFE];
	_ =	sdelay $0x1  }
0x8a: {  	s1 =	srdreg.scid  }
0x8b: {  	s0 =	sand.u32 $0x1, s1  }
0x8c: {  	s17 =	sshll.u32 s0, $0xA;
	s2 =	sadd.s32 s3, s2  }
0x8d: {  	s2 =	sadd.s32 s2, s17  }
0x8e: {  	[smem:$0x3FC6] =	sst s2  }
0x8f: {  	_ = 	snop  }
0x90: {  	s2 =	sld [smem:$0x3FD0];
	(tm) =	ssettm $0x1  }
0x91: {  	s18 =	sld [smem:$0x3FFB];
	_ =	sdelay $0x3  }
0x92: {  	_ =	strace s18  }
0x93: {  	s3 =	sld [smem:$0x3FFC];
	_ =	sdelay $0x3  }
0x94: {  	_ =	strace s3  }
0x95: {  	s3 =	sld [smem:$0x3FFD];
	_ =	sdelay $0x3  }
0x96: {  	_ =	strace s3  }
0x97: {  	_ =	strace $0x8FFFFFFF  }
0x98: {  	s19 =	sld [smem:$0x3FDB];
	_ =	sdelay $0x1  }
0x99: {  	s4 =	simm.s32 $_scs_section_size  }
0x9a: {  	s5 =	simm.s32 $_size__tile_overlayer_lowered;
	s6 =	simm.s32 $_tile_overlayer_lowered  }
0x9b: {  	s22 =	simm.s32 $0x1BFF;
	s21 =	sshll.u32 s6, $0x1;
	s3 =	sadd.s32 s4, s19  }
0x9c: {  	s7 =	simm.s32 $0x0;
	s20 =	sshll.u32 s5, $0x1;
	s5 =	sadd.s32 s21, s3  }
0x9d: {  	[timem:s7], [sflag:s22] =	dma.local [hbm:s5], s20  }
0x9e: {  	_ =	swait.ge [sflag:s22], s20  }
0x9f: {  	s4 =	ssub.s32 $0x0, s20;
	[sflag:s22] =	ssyncset.done $0x0  }
0xa0: {  	[sflag:s22] =	ssyncadd.s32 s4;
	_ =	sdelay $0x1  }
0xa1: {  	s23 =	simm.s32 $0x1B8B  }
0xa2: {  	_ =	swait.ge [sflag:s23], $0x1  }
0xa3: {  	[sflag:s23] =	ssyncset.done $0x0  }
0xa4: {  	s25 =	simm.s32 $0x1B8E;
	s24 =	sld [smem:$0x3FFE];
	[sflag:s23] =	ssyncadd.s32 $0xFFFFFFFF  }
0xa5: {  	s26 =	simm.s32 $execute0_lowered;
	[smem:$0x3FD2] =	sst s25  }
0xa6: {  	s5 =	sshll.u32 s26, $0x1;
	_ =	strace $0x80000046;
	[dreg:$0x1] =	wrdreg $0xFFFFFFFF  }
0xa7: {  	s28 =	simm.s32 $_size_execute0_lowered;
	s3 =	sadd.s32 s3, s5;
	[dreg:$0x0] =	wrdreg $0x0  }
0xa8: {  	s5 =	sshll.u32 s28, $0x1;
	[dreg:$0x2] =	wrdreg s3  }
0xa9: {  	[dreg:$0x3] =	wrdreg s5  }
0xaa: {  	[dreg:$0x4] =	wrdreg $0xC0  }
0xab: {  	_ =	task [dreg:s7], $0x5FFFF  }
0xac: {  	[dreg:$0x1] =	wrdreg $0xFFFFFFFF  }
0xad: {  	[dreg:$0x0] =	wrdreg $0x60  }
0xae: {  	[dreg:$0x2] =	wrdreg s24  }
0xaf: {  	[dreg:$0x3] =	wrdreg s2  }
0xb0: {  	[dreg:$0x4] =	wrdreg $0x9  }
0xb1: {  	_ =	task.clear_ibuf [dreg:s7], $0x5FFFF;
	_ =	strace $0x90000046  }
0xb2: {  	s29 =	simm.s32 $0x9;
	_ =	strace $0x80000048  }
0xb3: {  	_ =	swait.ge [sflag:s29], $0x1  }
0xb4: {  	[sflag:s29] =	ssyncadd.s32 $0xFFFFFFFF  }
0xb5: {  	_ =	strace $0x90000048  }
0xb6: {  	_ =	sfence  }
0xb7: {  	s30 =	sld [smem:$0x0];
	_ =	sdelay $0x2  }
0xb8: {  	s31 =	sshll.u32 s1, $0xD;
	s1 =	sshrl.u32 s1, $0x2  }
0xb9: {  	s3 =	sand.u32 $0x4000, s31;
	s1 =	sadd.s32 s1, s30  }
0xba: {  	s0 =	sor.u32 s3, s0;
	s1 =	sshll.u32 s1, $0x11  }
0xbb: {  	s0 =	sor.u32 s1, s0  }
0xbc: {  	s0 =	sadd.s32 $0x8F2B, s0  }
0xbd: {  	[sflag:s0] =	ssyncadd.remote.s32 $0x1  }
0xbe: {  	_ =	sfence.sel $0xFFFF  }
0xbf: {  	[dreg:$0x0] =	wrdreg $0xFFFFFFFF;
	(pc) =	sbr.abs _section_cstart, $3  }
0xc0: {  	[dreg:$0x1] =	wrdreg $0xFFFFFFFF  }
0xc1: {  	_ =	task.clear_ibuf [dreg:s7], $0x2FFFF;
	_ =	strace $0x9FFFFFFF  }
0xc2: {  	(tm) =	ssettm $0x7FFFFFFF  }
0xc3: {  	_ =	shalt  }
tec
execute0_lowered:
.L_overlay_start_1:
0x0: {  	(tag) =	ssettag $0x1  }
0x1: {  	s0 =	rddreg [dreg:$0x0]  }
0x2: {  	s1 =	rddreg [dreg:$0x1]  }
0x3: {  	s3 =	simm.s32 $0x0;
	s2 =	srdreg.scid;
	s10 =	stileid.u32  }
0x4: {  	s12 =	simm.s32 $0x3;
	s13 =	simm.s32 $0x80;
	s20 =	simm.s32 $0x200  }
0x5: {  	s25 =	simm.s32 $0xC400;
	s26 =	simm.s32 $0x380;
	s28 =	simm.s32 $0xE400  }
0x6: {  	s29 =	simm.s32 $0x0;
	[smem:$0x7FF] =	sst s3;
	s6 =	smul.u32 $0x64, s10  }
0x7: {  	s2 =	sand.u32 $0x1, s2;
	s7 =	sshll.u32 s10, $0x1;
	s10 =	smul.u32 $0xC8000, s10  }
0x8: {  	s4 =	sadd.s32 $0xF42E00, s0;
	s5 =	sadd.s32 $0xA00, s0;
	s8 =	smul.u32 $0x32, s2  }
0x9: {  	s31 =	ssub.s32 $0x2, s2;
	s7 =	sor.u32 s2, s7;
	s2 =	smul.u32 $0x64000, s2  }
0xa: {  	s9 =	sshrl.u32 s31, $0x1;
	s7 =	smul.u32 $0xC80, s7;
	s6 =	sadd.s32 s8, s6  }
0xb: {  	_ =	strace $0x80000047;
	s0 =	ssub.s32 s31, s9;
	s8 =	sshll.u32 s6, $0x6  }
0xc: {  	s11 =	sadd.s32 s2, s10;
	s6 =	sadd.s32 s1, s7;
	s14 =	sadd.s32 $0x80, s8  }
0xd: {  	s9 =	smax.u32 s0, $0x1;
	s8 =	sadd.s32 $0x40, s6;
	s17 =	sadd.s32 s14, s1  }
.LBB2_1:
0xe: {  	[tilespmem:s3], [sflag:$0x3] =	stream.linear.gather [hbm4b:s6+s3], $0x200, $0x38;
	[tilespmem:$0x10400] =	vst v63  }
0xf: {  	_ =	swait.ge [sflag:s12], $0x200  }
0x10: {  	[sflag:s12] =	ssyncset.done $0x0  }
0x11: {  	s0 =	simm.s32 $0x400;
	[sflag:s12] =	ssyncadd.s32 $0xFFFFFE00  }
0x12: {  	[tilespmem:s0], [sflag:$0x1] =	stream.indirect.gather [hbm4b:s4+s13], $0x40, s3, s13, $0xb8;
	[tilespmem:$0x10400] =	vst v63  }
0x13: {  	s10 =	simm.s32 $0x2400  }
0x14: {  	[tilespmem:s10], [sflag:$0x1] =	stream.indirect.gather [hbm4b:s4+s13], $0x40, s13, s13, $0xb8;
	[tilespmem:$0x10400] =	vst v63  }
0x15: {  	s15 =	simm.s32 $0x100;
	s2 =	simm.s32 $0x4400  }
0x16: {  	[tilespmem:s2], [sflag:$0x1] =	stream.indirect.gather [hbm4b:s4+s13], $0x40, s15, s13, $0xb8;
	[tilespmem:$0x10400] =	vst v63  }
0x17: {  	s16 =	simm.s32 $0x180;
	s18 =	simm.s32 $0x6400  }
0x18: {  	[tilespmem:s18], [sflag:$0x1] =	stream.indirect.gather [hbm4b:s4+s13], $0x40, s16, s13, $0xb8;
	[tilespmem:$0x10400] =	vst v63  }
0x19: {  	_ = 	snop  }
0x1a: {  	[tilespmem:s20], [sflag:$0x3] =	stream.linear.gather [hbm4b:s8+s3], $0x200, $0x38;
	[tilespmem:$0x10400] =	vst v63  }
0x1b: {  	_ =	swait.ge [sflag:s12], $0x200  }
0x1c: {  	[sflag:s12] =	ssyncset.done $0x0  }
0x1d: {  	s19 =	simm.s32 $0x8400;
	[sflag:s12] =	ssyncadd.s32 $0xFFFFFE00  }
0x1e: {  	[tilespmem:s19], [sflag:$0x2] =	stream.indirect.gather [hbm4b:s4+s13], $0x40, s20, s13, $0xb8;
	[tilespmem:$0x10400] =	vst v63  }
0x1f: {  	s21 =	simm.s32 $0x280;
	s22 =	simm.s32 $0xA400;
	s24 =	sand.u32 $0x1, s3  }
0x20: {  	[tilespmem:s22], [sflag:$0x2] =	stream.indirect.gather [hbm4b:s4+s13], $0x40, s21, s13, $0xb8;
	[tilespmem:$0x10400] =	vst v63  }
0x21: {  	s23 =	simm.s32 $0x300;
	p0 =	seq.s32 s24, $0x1  }
0x22: {  	[tilespmem:s25], [sflag:$0x2] =	stream.indirect.gather [hbm4b:s4+s13], $0x40, s23, s13, $0xb8;
	[tilespmem:$0x10400] =	vst v63  }
0x23: {  	s0 =	simm.s32 @p0 $0x2  }
0x24: {  	[tilespmem:s28], [sflag:$0x2] =	stream.indirect.gather [hbm4b:s4+s13], $0x40, s26, s13, $0xb8;
	[tilespmem:$0x10400] =	vst v63  }
0x25: {  	_ =	swait.ge @p0 [sflag:s0], $0x2000  }
0x26: {  	[sflag:s0] =	ssyncset.done @p0 $0x0  }
0x27: {  	[sflag:s0] =	ssyncadd.s32 @p0 $0xFFFFE000  }
0x28: {  	_ =	swait.ge @p0 [sflag:s0], $0x2000  }
0x29: {  	[sflag:s0] =	ssyncset.done @p0 $0x0  }
0x2a: {  	[sflag:s0] =	ssyncadd.s32 @p0 $0xFFFFE000  }
0x2b: {  	s30 =	simm.s32 $0x1;
	s31 =	sadd.s32 $0x40, s14;
	_ =	swait.ge @p0 [sflag:s0], $0x2000  }
0x2c: {  	p1 =	por @p0 $0x0, $0x0;
	s7 =	simm.s32 @p0 $0x8400;
	[sflag:s0] =	ssyncset.done @p0 $0x0  }
0x2d: {  	p3 =	por p1, !p0;
	p1 =	por @!p0 $0x0, $0x0;
	[sflag:s0] =	ssyncadd.s32 @p0 $0xFFFFE000  }
0x2e: {  	s10 =	simm.s32 @p0 $0x40;
	s2 =	sand.u32 @!p0 $0x1FFFC000, s11;
	_ =	swait.ge @p0 [sflag:s0], $0x2000  }
0x2f: {  	s15 =	simm.s32 $0x2;
	s16 =	sadd.s32 @!p0 s5, s2;
	[sflag:s0] =	ssyncset.done @p0 $0x0  }
0x30: {  	s2 =	simm.s32 @p0 $0x80;
	[sflag:s0] =	ssyncadd.s32 @p0 $0xFFFFE000;
	s0 =	sadd.s32 @p0 s11, s5  }
0x31: {  	[hbm4b:s0+s10] =	stream.strided.scatter @p0 [tilespmem:s7], [sflag:$0x3], $0x8000, s2, s10, $0x38;
	[tilespmem:$0x10400] =	vst v63  }
0x32: {  	s21 =	simm.s32 @p0 $0x3;
	s0 =	sadd.s32 $0x2000, s11;
	s2 =	sadd.s32 $0x40, s17  }
0x33: {  	s10 =	smov.u32 s17;
	s7 =	smov.u32 s14;
	_ =	swait.ge @p0 [sflag:s21], $0x8000  }
.LBB2_2:
0x34: {  	[sflag:s21] =	ssyncset.done @p0 $0x0;
	s22 =	simm.s32 @!p3 $0x3  }
0x35: {  	s19 =	smov.u32 s15;
	s15 =	sadd.s32 $0x1, s15;
	s18 =	smov.u32 s0  }
0x36: {  	s23 =	simm.s32 @!p3 $0x200;
	[sflag:s21] =	ssyncadd.s32 @p0 $0xFFFF8000;
	s21 =	simm.s32 @!p3 $0x0  }
0x37: {  	[tilespmem:s23], [sflag:$0x3] =	stream.linear.gather @!p3 [hbm4b:s10+s21], $0x200, $0x38;
	[tilespmem:$0x10400] =	vst v63  }
0x38: {  	p2 =	sne.s32 s15, $0x32;
	s10 =	smov.u32 s2;
	_ =	swait.ge @!p3 [sflag:s22], $0x200  }
0x39: {  	[sflag:s22] =	ssyncset.done @!p3 $0x0  }
0x3a: {  	s21 =	simm.s32 @!p3 $0x80;
	[sflag:s22] =	ssyncadd.s32 @!p3 $0xFFFFFE00;
	s22 =	simm.s32 @!p3 $0x8400  }
0x3b: {  	[tilespmem:s22], [sflag:$0x2] =	stream.indirect.gather @!p3 [hbm4b:s4+s21], $0x40, s23, s21, $0xb8;
	[tilespmem:$0x10400] =	vst v63  }
0x3c: {  	s22 =	simm.s32 @!p3 $0x280;
	s23 =	simm.s32 @!p3 $0xA400  }
0x3d: {  	[tilespmem:s23], [sflag:$0x2] =	stream.indirect.gather @!p3 [hbm4b:s4+s21], $0x40, s22, s21, $0xb8;
	[tilespmem:$0x10400] =	vst v63  }
0x3e: {  	s22 =	simm.s32 @!p3 $0x300;
	s23 =	simm.s32 @!p3 $0xC400  }
0x3f: {  	[tilespmem:s23], [sflag:$0x2] =	stream.indirect.gather @!p3 [hbm4b:s4+s21], $0x40, s22, s21, $0xb8;
	[tilespmem:$0x10400] =	vst v63  }
0x40: {  	s24 =	simm.s32 @!p0 $0x1;
	s22 =	simm.s32 @!p3 $0x380;
	s23 =	simm.s32 @!p3 $0xE400  }
0x41: {  	[tilespmem:s23], [sflag:$0x2] =	stream.indirect.gather @!p3 [hbm4b:s4+s21], $0x40, s22, s21, $0xb8;
	[tilespmem:$0x10400] =	vst v63  }
0x42: {  	_ =	swait.ge @!p0 [sflag:s24], $0x2000  }
0x43: {  	[sflag:s24] =	ssyncset.done @!p0 $0x0  }
0x44: {  	[sflag:s24] =	ssyncadd.s32 @!p0 $0xFFFFE000  }
0x45: {  	_ =	swait.ge @!p0 [sflag:s24], $0x2000  }
0x46: {  	[sflag:s24] =	ssyncset.done @!p0 $0x0  }
0x47: {  	[sflag:s24] =	ssyncadd.s32 @!p0 $0xFFFFE000  }
0x48: {  	_ =	swait.ge @!p0 [sflag:s24], $0x2000  }
0x49: {  	[sflag:s24] =	ssyncset.done @!p0 $0x0  }
0x4a: {  	[sflag:s24] =	ssyncadd.s32 @!p0 $0xFFFFE000  }
0x4b: {  	_ =	swait.ge @!p0 [sflag:s24], $0x2000  }
0x4c: {  	s21 =	simm.s32 @!p0 $0x400;
	s22 =	simm.s32 @!p0 $0x3;
	[sflag:s24] =	ssyncset.done @!p0 $0x0  }
0x4d: {  	s23 =	simm.s32 @!p0 $0x40;
	[sflag:s24] =	ssyncadd.s32 @!p0 $0xFFFFE000;
	s24 =	simm.s32 @!p0 $0x80  }
0x4e: {  	[hbm4b:s16+s23] =	stream.strided.scatter @!p0 [tilespmem:s21], [sflag:$0x3], $0x8000, s24, s23, $0x38;
	[tilespmem:$0x10400] =	vst v63  }
0x4f: {  	p1 =	por p1, p0;
	_ =	swait.ge @!p0 [sflag:s22], $0x8000  }
0x50: {  	s7 =	sand.u32 @!p1 $0x1FFFFF80, s7;
	s16 =	simm.s32 @!p1 $0x3;
	[sflag:s22] =	ssyncset.done @!p0 $0x0  }
0x51: {  	s7 =	sadd.s32 @!p1 s1, s7;
	s21 =	simm.s32 @!p1 $0x0;
	[sflag:s22] =	ssyncadd.s32 @!p0 $0xFFFF8000  }
0x52: {  	[tilespmem:s21], [sflag:$0x3] =	stream.linear.gather @!p1 [hbm4b:s7+s21], $0x200, $0x38;
	[tilespmem:$0x10400] =	vst v63  }
0x53: {  	s7 =	smov.u32 s31;
	_ =	swait.ge @!p1 [sflag:s16], $0x200  }
0x54: {  	[sflag:s16] =	ssyncset.done @!p1 $0x0  }
0x55: {  	s22 =	simm.s32 @!p1 $0x400;
	[sflag:s16] =	ssyncadd.s32 @!p1 $0xFFFFFE00;
	s16 =	simm.s32 @!p1 $0x80  }
0x56: {  	[tilespmem:s22], [sflag:$0x1] =	stream.indirect.gather @!p1 [hbm4b:s4+s16], $0x40, s21, s16, $0xb8;
	[tilespmem:$0x10400] =	vst v63  }
0x57: {  	s21 =	simm.s32 @!p1 $0x2400  }
0x58: {  	[tilespmem:s21], [sflag:$0x1] =	stream.indirect.gather @!p1 [hbm4b:s4+s16], $0x40, s16, s16, $0xb8;
	[tilespmem:$0x10400] =	vst v63  }
0x59: {  	s23 =	simm.s32 @!p1 $0x4400;
	s22 =	simm.s32 @!p1 $0x100;
	s21 =	sand.u32 $0x1, s30  }
0x5a: {  	[tilespmem:s23], [sflag:$0x1] =	stream.indirect.gather @!p1 [hbm4b:s4+s16], $0x40, s22, s16, $0xb8;
	[tilespmem:$0x10400] =	vst v63  }
0x5b: {  	p0 =	seq.s32 s21, $0x1;
	s21 =	simm.s32 @!p1 $0x180;
	s22 =	simm.s32 @!p1 $0x6400  }
0x5c: {  	s23 =	simm.s32 @p0 $0x2;
	p3 =	sgt.u32 @p0 s30, $0x2F;
	s24 =	sand.u32 @!p0 $0x1FFFC000, s0  }
0x5d: {  	[tilespmem:s22], [sflag:$0x1] =	stream.indirect.gather @!p1 [hbm4b:s4+s16], $0x40, s21, s16, $0xb8;
	[tilespmem:$0x10400] =	vst v63  }
0x5e: {  	p3 =	por p3, !p0;
	s16 =	sadd.s32 @!p0 s5, s24;
	_ =	swait.ge @p0 [sflag:s23], $0x2000  }
0x5f: {  	p1 =	sgt.u32 @!p0 s30, $0x2F;
	s30 =	smov.u32 s19;
	[sflag:s23] =	ssyncset.done @p0 $0x0  }
0x60: {  	[sflag:s23] =	ssyncadd.s32 @p0 $0xFFFFE000  }
0x61: {  	_ =	swait.ge @p0 [sflag:s23], $0x2000  }
0x62: {  	[sflag:s23] =	ssyncset.done @p0 $0x0  }
0x63: {  	[sflag:s23] =	ssyncadd.s32 @p0 $0xFFFFE000  }
0x64: {  	_ =	swait.ge @p0 [sflag:s23], $0x2000  }
0x65: {  	[sflag:s23] =	ssyncset.done @p0 $0x0  }
0x66: {  	s0 =	sadd.s32 $0x2000, s0;
	[sflag:s23] =	ssyncadd.s32 @p0 $0xFFFFE000  }
.Ltmp0:
0x67: {  	s21 =	simm.s32 @p0 $0x3;
	_ =	swait.ge @p0 [sflag:s23], $0x2000;
	(pc) =	sbr.rel @p2 .LBB2_2-.Ltmp0, $4  }
0x68: {  	s19 =	simm.s32 @p0 $0x80;
	s22 =	simm.s32 @p0 $0x8400;
	[sflag:s23] =	ssyncset.done @p0 $0x0  }
0x69: {  	s18 =	sadd.s32 @p0 s18, s5;
	[sflag:s23] =	ssyncadd.s32 @p0 $0xFFFFE000;
	s23 =	simm.s32 @p0 $0x40  }
0x6a: {  	[hbm4b:s18+s23] =	stream.strided.scatter @p0 [tilespmem:s22], [sflag:$0x3], $0x8000, s19, s23, $0x38;
	[tilespmem:$0x10400] =	vst v63  }
0x6b: {  	s2 =	sadd.s32 $0x40, s2;
	s31 =	sadd.s32 $0x40, s31;
	_ =	swait.ge @p0 [sflag:s21], $0x8000  }
0x6c: {  	[sflag:s21] =	ssyncset.done @p0 $0x0;
	s15 =	simm.s32 @!p3 $0x3  }
0x6d: {  	s18 =	simm.s32 @!p3 $0x0;
	s19 =	simm.s32 @!p3 $0x200;
	[sflag:s21] =	ssyncadd.s32 @p0 $0xFFFF8000  }
0x6e: {  	[tilespmem:s19], [sflag:$0x3] =	stream.linear.gather @!p3 [hbm4b:s10+s18], $0x200, $0x38;
	[tilespmem:$0x10400] =	vst v63  }
0x6f: {  	_ =	swait.ge @!p3 [sflag:s15], $0x200  }
0x70: {  	[sflag:s15] =	ssyncset.done @!p3 $0x0  }
0x71: {  	s10 =	simm.s32 @!p3 $0x80;
	[sflag:s15] =	ssyncadd.s32 @!p3 $0xFFFFFE00;
	s15 =	simm.s32 @!p3 $0x8400  }
0x72: {  	[tilespmem:s15], [sflag:$0x2] =	stream.indirect.gather @!p3 [hbm4b:s4+s10], $0x40, s19, s10, $0xb8;
	[tilespmem:$0x10400] =	vst v63  }
0x73: {  	s18 =	simm.s32 @!p3 $0xA400;
	s15 =	simm.s32 @!p3 $0x280  }
0x74: {  	[tilespmem:s18], [sflag:$0x2] =	stream.indirect.gather @!p3 [hbm4b:s4+s10], $0x40, s15, s10, $0xb8;
	[tilespmem:$0x10400] =	vst v63  }
0x75: {  	s15 =	simm.s32 @!p3 $0x300;
	s18 =	simm.s32 @!p3 $0xC400  }
0x76: {  	[tilespmem:s18], [sflag:$0x2] =	stream.indirect.gather @!p3 [hbm4b:s4+s10], $0x40, s15, s10, $0xb8;
	[tilespmem:$0x10400] =	vst v63  }
0x77: {  	s19 =	simm.s32 @!p0 $0x1;
	s15 =	simm.s32 @!p3 $0x380;
	s18 =	simm.s32 @!p3 $0xE400  }
0x78: {  	[tilespmem:s18], [sflag:$0x2] =	stream.indirect.gather @!p3 [hbm4b:s4+s10], $0x40, s15, s10, $0xb8;
	[tilespmem:$0x10400] =	vst v63  }
0x79: {  	_ =	swait.ge @!p0 [sflag:s19], $0x2000  }
0x7a: {  	[sflag:s19] =	ssyncset.done @!p0 $0x0  }
0x7b: {  	[sflag:s19] =	ssyncadd.s32 @!p0 $0xFFFFE000  }
0x7c: {  	_ =	swait.ge @!p0 [sflag:s19], $0x2000  }
0x7d: {  	[sflag:s19] =	ssyncset.done @!p0 $0x0  }
0x7e: {  	[sflag:s19] =	ssyncadd.s32 @!p0 $0xFFFFE000  }
0x7f: {  	_ =	swait.ge @!p0 [sflag:s19], $0x2000  }
0x80: {  	[sflag:s19] =	ssyncset.done @!p0 $0x0  }
0x81: {  	[sflag:s19] =	ssyncadd.s32 @!p0 $0xFFFFE000  }
0x82: {  	p1 =	por p1, p0;
	_ =	swait.ge @!p0 [sflag:s19], $0x2000  }
0x83: {  	s10 =	simm.s32 @!p0 $0x400;
	s15 =	simm.s32 @!p0 $0x3;
	[sflag:s19] =	ssyncset.done @!p0 $0x0  }
0x84: {  	s18 =	simm.s32 @!p0 $0x40;
	[sflag:s19] =	ssyncadd.s32 @!p0 $0xFFFFE000;
	s19 =	simm.s32 @!p0 $0x80  }
0x85: {  	[hbm4b:s16+s18] =	stream.strided.scatter @!p0 [tilespmem:s10], [sflag:$0x3], $0x8000, s19, s18, $0x38;
	[tilespmem:$0x10400] =	vst v63  }
0x86: {  	s7 =	sand.u32 @!p1 $0x1FFFFF80, s7;
	_ =	swait.ge @!p0 [sflag:s15], $0x8000  }
0x87: {  	s7 =	sadd.s32 @!p1 s1, s7;
	[sflag:s15] =	ssyncset.done @!p0 $0x0  }
0x88: {  	s10 =	simm.s32 @!p1 $0x3;
	[sflag:s15] =	ssyncadd.s32 @!p0 $0xFFFF8000;
	s15 =	simm.s32 @!p1 $0x0  }
0x89: {  	[tilespmem:s15], [sflag:$0x3] =	stream.linear.gather @!p1 [hbm4b:s7+s15], $0x200, $0x38;
	[tilespmem:$0x10400] =	vst v63  }
0x8a: {  	_ =	swait.ge @!p1 [sflag:s10], $0x200  }
0x8b: {  	[sflag:s10] =	ssyncset.done @!p1 $0x0  }
0x8c: {  	s7 =	simm.s32 @!p1 $0x80;
	[sflag:s10] =	ssyncadd.s32 @!p1 $0xFFFFFE00;
	s10 =	simm.s32 @!p1 $0x400  }
0x8d: {  	[tilespmem:s10], [sflag:$0x1] =	stream.indirect.gather @!p1 [hbm4b:s4+s7], $0x40, s15, s7, $0xb8;
	[tilespmem:$0x10400] =	vst v63  }
0x8e: {  	s24 =	sand.u32 $0x1, s30;
	s10 =	simm.s32 @!p1 $0x2400  }
0x8f: {  	[tilespmem:s10], [sflag:$0x1] =	stream.indirect.gather @!p1 [hbm4b:s4+s7], $0x40, s7, s7, $0xb8;
	[tilespmem:$0x10400] =	vst v63  }
0x90: {  	s16 =	simm.s32 @!p1 $0x4400;
	p0 =	seq.s32 s24, $0x1;
	s15 =	simm.s32 @!p1 $0x100  }
0x91: {  	[tilespmem:s16], [sflag:$0x1] =	stream.indirect.gather @!p1 [hbm4b:s4+s7], $0x40, s15, s7, $0xb8;
	[tilespmem:$0x10400] =	vst v63  }
0x92: {  	s10 =	simm.s32 @!p1 $0x180;
	s15 =	simm.s32 @!p1 $0x6400;
	s16 =	simm.s32 @p0 $0x2  }
0x93: {  	[tilespmem:s15], [sflag:$0x1] =	stream.indirect.gather @!p1 [hbm4b:s4+s7], $0x40, s10, s7, $0xb8;
	[tilespmem:$0x10400] =	vst v63  }
0x94: {  	_ =	swait.ge @p0 [sflag:s16], $0x2000  }
0x95: {  	[sflag:s16] =	ssyncset.done @p0 $0x0  }
0x96: {  	[sflag:s16] =	ssyncadd.s32 @p0 $0xFFFFE000  }
0x97: {  	_ =	swait.ge @p0 [sflag:s16], $0x2000  }
0x98: {  	[sflag:s16] =	ssyncset.done @p0 $0x0  }
0x99: {  	[sflag:s16] =	ssyncadd.s32 @p0 $0xFFFFE000  }
0x9a: {  	_ =	swait.ge @p0 [sflag:s16], $0x2000  }
0x9b: {  	[sflag:s16] =	ssyncset.done @p0 $0x0  }
0x9c: {  	[sflag:s16] =	ssyncadd.s32 @p0 $0xFFFFE000  }
0x9d: {  	s18 =	simm.s32 @p0 $0x40;
	p1 =	sgt.u32 @p0 s30, $0x2F;
	_ =	swait.ge @p0 [sflag:s16], $0x2000  }
0x9e: {  	s7 =	simm.s32 @p0 $0x3;
	s10 =	simm.s32 @p0 $0x80;
	[sflag:s16] =	ssyncset.done @p0 $0x0  }
0x9f: {  	s15 =	simm.s32 @p0 $0x8400;
	[sflag:s16] =	ssyncadd.s32 @p0 $0xFFFFE000;
	s16 =	sadd.s32 @p0 s0, s5  }
0xa0: {  	[hbm4b:s16+s18] =	stream.strided.scatter @p0 [tilespmem:s15], [sflag:$0x3], $0x8000, s10, s18, $0x38;
	[tilespmem:$0x10400] =	vst v63  }
0xa1: {  	p1 =	por p1, !p0;
	_ =	swait.ge @p0 [sflag:s7], $0x8000  }
0xa2: {  	s10 =	simm.s32 @!p1 $0x3;
	[sflag:s7] =	ssyncset.done @p0 $0x0  }
0xa3: {  	s15 =	simm.s32 @!p1 $0x200;
	[sflag:s7] =	ssyncadd.s32 @p0 $0xFFFF8000;
	s7 =	simm.s32 @!p1 $0x0  }
0xa4: {  	[tilespmem:s15], [sflag:$0x3] =	stream.linear.gather @!p1 [hbm4b:s2+s7], $0x200, $0x38;
	[tilespmem:$0x10400] =	vst v63  }
0xa5: {  	_ =	swait.ge @!p1 [sflag:s10], $0x200  }
0xa6: {  	[sflag:s10] =	ssyncset.done @!p1 $0x0  }
0xa7: {  	s2 =	simm.s32 @!p1 $0x80;
	s7 =	simm.s32 @!p1 $0x8400;
	[sflag:s10] =	ssyncadd.s32 @!p1 $0xFFFFFE00  }
0xa8: {  	[tilespmem:s7], [sflag:$0x2] =	stream.indirect.gather @!p1 [hbm4b:s4+s2], $0x40, s15, s2, $0xb8;
	[tilespmem:$0x10400] =	vst v63  }
0xa9: {  	s10 =	simm.s32 @!p1 $0xA400;
	s7 =	simm.s32 @!p1 $0x280  }
0xaa: {  	[tilespmem:s10], [sflag:$0x2] =	stream.indirect.gather @!p1 [hbm4b:s4+s2], $0x40, s7, s2, $0xb8;
	[tilespmem:$0x10400] =	vst v63  }
0xab: {  	s7 =	simm.s32 @!p1 $0x300;
	s10 =	simm.s32 @!p1 $0xC400  }
0xac: {  	[tilespmem:s10], [sflag:$0x2] =	stream.indirect.gather @!p1 [hbm4b:s4+s2], $0x40, s7, s2, $0xb8;
	[tilespmem:$0x10400] =	vst v63  }
0xad: {  	s15 =	simm.s32 @!p0 $0x1;
	s7 =	simm.s32 @!p1 $0x380;
	s10 =	simm.s32 @!p1 $0xE400  }
0xae: {  	[tilespmem:s10], [sflag:$0x2] =	stream.indirect.gather @!p1 [hbm4b:s4+s2], $0x40, s7, s2, $0xb8;
	[tilespmem:$0x10400] =	vst v63  }
0xaf: {  	_ =	swait.ge @!p0 [sflag:s15], $0x2000  }
0xb0: {  	[sflag:s15] =	ssyncset.done @!p0 $0x0  }
0xb1: {  	[sflag:s15] =	ssyncadd.s32 @!p0 $0xFFFFE000  }
0xb2: {  	_ =	swait.ge @!p0 [sflag:s15], $0x2000  }
0xb3: {  	[sflag:s15] =	ssyncset.done @!p0 $0x0  }
0xb4: {  	[sflag:s15] =	ssyncadd.s32 @!p0 $0xFFFFE000  }
0xb5: {  	_ =	swait.ge @!p0 [sflag:s15], $0x2000  }
0xb6: {  	[sflag:s15] =	ssyncset.done @!p0 $0x0  }
0xb7: {  	s0 =	sand.u32 @!p0 $0x1FFFC000, s0;
	[sflag:s15] =	ssyncadd.s32 @!p0 $0xFFFFE000  }
0xb8: {  	s0 =	sadd.s32 @!p0 s5, s0;
	p1 =	sgt.u32 @!p0 s30, $0x2F;
	_ =	swait.ge @!p0 [sflag:s15], $0x2000  }
0xb9: {  	s2 =	simm.s32 @!p0 $0x400;
	s7 =	simm.s32 @!p0 $0x3;
	[sflag:s15] =	ssyncset.done @!p0 $0x0  }
0xba: {  	s10 =	simm.s32 @!p0 $0x40;
	[sflag:s15] =	ssyncadd.s32 @!p0 $0xFFFFE000;
	s15 =	simm.s32 @!p0 $0x80  }
0xbb: {  	[hbm4b:s0+s10] =	stream.strided.scatter @!p0 [tilespmem:s2], [sflag:$0x3], $0x8000, s15, s10, $0x38;
	[tilespmem:$0x10400] =	vst v63  }
0xbc: {  	p1 =	por p1, p0;
	_ =	swait.ge @!p0 [sflag:s7], $0x8000  }
0xbd: {  	s0 =	sand.u32 @!p1 $0x1FFFFF80, s31;
	s2 =	simm.s32 @!p1 $0x3;
	[sflag:s7] =	ssyncset.done @!p0 $0x0  }
0xbe: {  	s0 =	sadd.s32 @!p1 s1, s0;
	[sflag:s7] =	ssyncadd.s32 @!p0 $0xFFFF8000;
	s7 =	simm.s32 @!p1 $0x0  }
0xbf: {  	[tilespmem:s7], [sflag:$0x3] =	stream.linear.gather @!p1 [hbm4b:s0+s7], $0x200, $0x38;
	[tilespmem:$0x10400] =	vst v63  }
0xc0: {  	_ =	swait.ge @!p1 [sflag:s2], $0x200  }
0xc1: {  	s29 =	sadd.s32 $0x1, s29;
	[sflag:s2] =	ssyncset.done @!p1 $0x0  }
0xc2: {  	s0 =	simm.s32 @!p1 $0x80;
	[sflag:s2] =	ssyncadd.s32 @!p1 $0xFFFFFE00;
	s2 =	simm.s32 @!p1 $0x400  }
0xc3: {  	[tilespmem:s2], [sflag:$0x1] =	stream.indirect.gather @!p1 [hbm4b:s4+s0], $0x40, s7, s0, $0xb8;
	[tilespmem:$0x10400] =	vst v63  }
0xc4: {  	p0 =	sne.s32 s29, s9;
	s2 =	simm.s32 @!p1 $0x2400  }
0xc5: {  	[tilespmem:s2], [sflag:$0x1] =	stream.indirect.gather @!p1 [hbm4b:s4+s0], $0x40, s0, s0, $0xb8;
	[tilespmem:$0x10400] =	vst v63  }
.Ltmp1:
0xc6: {  	_ = 	snop;
	(pc) =	sbr.rel @p0 .LBB2_1-.Ltmp1, $4  }
0xc7: {  	s7 =	simm.s32 @!p1 $0x4400;
	s2 =	simm.s32 @!p1 $0x100  }
0xc8: {  	[tilespmem:s7], [sflag:$0x1] =	stream.indirect.gather @!p1 [hbm4b:s4+s0], $0x40, s2, s0, $0xb8;
	[tilespmem:$0x10400] =	vst v63  }
0xc9: {  	s2 =	simm.s32 @!p1 $0x180;
	s7 =	simm.s32 @!p1 $0x6400  }
0xca: {  	[tilespmem:s7], [sflag:$0x1] =	stream.indirect.gather @!p1 [hbm4b:s4+s0], $0x40, s2, s0, $0xb8;
	[tilespmem:$0x10400] =	vst v63  }
0xcb: {  	_ =	sfence.sel $0x180000  }
0xcc: {  	[bflag:$0x0] =	sbarrier.arrive $0xFFFF  }
0xcd: {  	_ =	strace $0x90000047  }
0xce: {  	s0 =	stileid.u32;
	[bflag:$0x2] =	sbarrier.arrive $0xFFFF  }
0xcf: {  	p0 =	sne.s32 s0, $0x0;
	s0 =	rddreg [dreg:$0x2]  }
0xd0: {  	s0 =	sadd.s32 @!p0 $0x100000, s0  }
0xd1: {  	[sflag:s0] =	ssyncadd.tile.s32 @!p0 $0x1;
	_ =	shalt  }
.Lfunc_end2:
_tile_overlayer_lowered:
.L_overlay_start_2:
0xd2: {  	(tag) =	ssettag $0x2  }
0xd3: {  	s0 =	rddreg [dreg:$0x0];
	s2 =	stileid.u32  }
0xd4: {  	s1 =	rddreg [dreg:$0x1];
	p0 =	sne.s32 s2, $0x0  }
0xd5: {  	s3 =	rddreg [dreg:$0x2];
	[bflag:$0x3] =	sbarrier.arrive $0xFFFF;
	s2 =	simm.s32 @!p0 $0x1C03  }
0xd6: {  	[timem:s3], [sflag:s2] =	dma.local @!p0 [hbm:s0], s1  }
0xd7: {  	s0 =	simm.s32 @!p0 $0x3  }
0xd8: {  	_ =	swait.ge @!p0 [sflag:s0], s1  }
0xd9: {  	s1 =	ssub.s32 @!p0 $0x0, s1;
	[sflag:s0] =	ssyncset.done @!p0 $0x0  }
0xda: {  	[sflag:s0] =	ssyncadd.s32 @!p0 s1  }
0xdb: {  	[bflag:$0x3] =	sbarrier.arrive $0xFFFF  }
0xdc: {  	_ =	shalt  }

// kernel: sparse-core-data-format-call.cloned.1.call-start
scs
called_computation_lowered:
.L_overlay_start_0:
0x0: {  	s2 =	sld [smem:$0x3FD9]  }
0x1: {  	s3 =	sld [smem:$0x3FFE];
	_ =	sdelay $0x1  }
0x2: {  	s1 =	srdreg.scid  }
0x3: {  	s0 =	sand.u32 $0x1, s1  }
0x4: {  	s18 =	sshll.u32 s0, $0xA;
	s2 =	sadd.s32 s3, s2  }
0x5: {  	s2 =	sadd.s32 s2, s18  }
0x6: {  	[smem:$0x3FC6] =	sst s2  }
0x7: {  	_ = 	snop  }
0x8: {  	s2 =	sld [smem:$0x3FD0];
	(tm) =	ssettm $0x1  }
0x9: {  	s19 =	sld [smem:$0x3FFB];
	_ =	sdelay $0x3  }
0xa: {  	_ =	strace s19  }
0xb: {  	s3 =	sld [smem:$0x3FFC];
	_ =	sdelay $0x3  }
0xc: {  	_ =	strace s3  }
0xd: {  	s3 =	sld [smem:$0x3FFD];
	_ =	sdelay $0x3  }
0xe: {  	_ =	strace s3  }
0xf: {  	_ =	strace $0x8FFFFFFF  }
0x10: {  	s20 =	sld [smem:$0x3FDB];
	_ =	sdelay $0x1  }
0x11: {  	s4 =	simm.s32 $_scs_section_size  }
0x12: {  	s5 =	simm.s32 $_size__tile_overlayer_lowered;
	s6 =	simm.s32 $_tile_overlayer_lowered  }
0x13: {  	s23 =	simm.s32 $0x1BFF;
	s22 =	sshll.u32 s6, $0x1;
	s3 =	sadd.s32 s4, s20  }
0x14: {  	s7 =	simm.s32 $0x0;
	s21 =	sshll.u32 s5, $0x1;
	s5 =	sadd.s32 s22, s3  }
0x15: {  	[timem:s7], [sflag:s23] =	dma.local [hbm:s5], s21  }
0x16: {  	_ =	swait.ge [sflag:s23], s21  }
0x17: {  	s4 =	ssub.s32 $0x0, s21;
	[sflag:s23] =	ssyncset.done $0x0  }
0x18: {  	[sflag:s23] =	ssyncadd.s32 s4;
	_ =	sdelay $0x1  }
0x19: {  	s24 =	simm.s32 $0x1B8B  }
0x1a: {  	_ =	swait.ge [sflag:s24], $0x1  }
0x1b: {  	[sflag:s24] =	ssyncset.done $0x0  }
0x1c: {  	s26 =	simm.s32 $0x1B8E;
	s25 =	sld [smem:$0x3FFE];
	[sflag:s24] =	ssyncadd.s32 $0xFFFFFFFF  }
0x1d: {  	s27 =	simm.s32 $execute0_lowered;
	[smem:$0x3FD2] =	sst s26  }
0x1e: {  	s5 =	sshll.u32 s27, $0x1;
	_ =	strace $0x80000049;
	[dreg:$0x1] =	wrdreg $0xFFFFFFFF  }
0x1f: {  	s28 =	simm.s32 $_size_execute0_lowered;
	s3 =	sadd.s32 s3, s5;
	[dreg:$0x0] =	wrdreg $0x0  }
0x20: {  	s5 =	sshll.u32 s28, $0x1;
	[dreg:$0x2] =	wrdreg s3  }
0x21: {  	[dreg:$0x3] =	wrdreg s5  }
0x22: {  	[dreg:$0x4] =	wrdreg $0xC0  }
0x23: {  	_ =	task [dreg:s7], $0x5FFFF  }
0x24: {  	[dreg:$0x1] =	wrdreg $0xFFFFFFFF  }
0x25: {  	[dreg:$0x0] =	wrdreg $0x60  }
0x26: {  	[dreg:$0x2] =	wrdreg s25  }
0x27: {  	[dreg:$0x3] =	wrdreg s2  }
0x28: {  	[dreg:$0x4] =	wrdreg $0x9  }
0x29: {  	_ =	task.clear_ibuf [dreg:s7], $0x5FFFF;
	_ =	strace $0x90000049  }
0x2a: {  	s29 =	simm.s32 $0x9;
	_ =	strace $0x8000004B  }
0x2b: {  	_ =	swait.ge [sflag:s29], $0x1  }
0x2c: {  	[sflag:s29] =	ssyncadd.s32 $0xFFFFFFFF  }
0x2d: {  	_ =	strace $0x9000004B  }
0x2e: {  	_ =	sfence  }
0x2f: {  	s30 =	sld [smem:$0x0];
	_ =	sdelay $0x2  }
0x30: {  	s31 =	sshll.u32 s1, $0xD;
	s1 =	sshrl.u32 s1, $0x2  }
0x31: {  	s3 =	sand.u32 $0x4000, s31;
	s1 =	sadd.s32 s1, s30  }
0x32: {  	s0 =	sor.u32 s3, s0;
	s1 =	sshll.u32 s1, $0x11  }
0x33: {  	s0 =	sor.u32 s1, s0  }
0x34: {  	s0 =	sadd.s32 $0x8F2B, s0  }
0x35: {  	[sflag:s0] =	ssyncadd.remote.s32 $0x1  }
0x36: {  	_ =	sfence.sel $0xFFFF  }
0x37: {  	[dreg:$0x0] =	wrdreg $0xFFFFFFFF;
	(pc) =	sbr.abs _section_cstart, $3  }
0x38: {  	[dreg:$0x1] =	wrdreg $0xFFFFFFFF  }
0x39: {  	_ =	task.clear_ibuf [dreg:s7], $0x2FFFF;
	_ =	strace $0x9FFFFFFF  }
0x3a: {  	(tm) =	ssettm $0x7FFFFFFF  }
0x3b: {  	_ =	shalt  }
tec
execute0_lowered:
.L_overlay_start_1:
0x0: {  	(tag) =	ssettag $0x1  }
0x1: {  	s0 =	srdreg.scid  }
0x2: {  	s1 =	sshll.u32 s0, $0x4  }
0x3: {  	s0 =	stileid.u32;
	s1 =	sand.u32 $0x10, s1  }
0x4: {  	s1 =	sor.u32 s0, s1  }
0x5: {  	s6 =	rddreg [dreg:$0x0];
	s4 =	simm.s32 $0x1;
	s2 =	sshll.u32 s1, $0x7  }
0x6: {  	s7 =	simm.s32 $0x2;
	s12 =	simm.s32 $0x0;
	s1 =	ssub.s32 $0x1000, s2  }
0x7: {  	s8 =	simm.s32 $0x8000;
	s13 =	simm.s32 $0x0;
	s3 =	sand.u32 $0xF80, s1  }
0x8: {  	s9 =	simm.s32 $0x0;
	s5 =	sshrl.u32 s1, $0xC;
	p0 =	sne.s32 s3, $0x0  }
.Ltmp0:
0x9: {  	s1 =	rddreg [dreg:$0x2];
	s4 =	simm.s32 @!p0 $0x0;
	(pc) =	sbr.rel .LBB1_1-.Ltmp0, $4  }
0xa: {  	s11 =	simm.s32 $0x0;
	s3 =	rddreg [dreg:$0x1];
	s5 =	sadd.s32 s4, s5  }
0xb: {  	_ =	strace $0x8000004A;
	s4 =	simm.s32 $0x1;
	s5 =	smul.u32 $0xC8, s5  }
0xc: {  	s6 =	sadd.s32 $0xA00, s6;
	s10 =	smov.u32 s2;
	[sflag:s4] =	ssyncpa.u1 $0x0  }
0xd: {  	p0 =	por $0x0, $0x0;
	[sflag:s7] =	ssyncpa.u1 $0x0;
	s7 =	sor.u32 $0x1, s5  }
.LBB1_4:
0xe: {  	s16 =	sshll.u32 s13, $0x3;
	s17 =	sand.u32 $0x78, s13  }
0xf: {  	s30 =	sand.u32 $0x7E00, s13;
	s12 =	sshll.u32 s12, $0xF;
	s16 =	sand.u32 $0xC00, s16  }
0x10: {  	[tilespmem:s15+$0x810 ss:$0x81] =	vst.msk $0xffff, v2;
	s31 =	sand.u32 $0x7, s13;
	s16 =	sor.u32 s17, s16;
	s17 =	sadd.s32 s3, s30  }
0x11: {  	[tilespmem:s15+$0x1020 ss:$0x81] =	vst.msk $0xffff, v0;
	s13 =	sshll.u32 s31, $0x12;
	s12 =	sadd.s32 s12, s17;
	s16 =	sshrl.u32 s16, $0x3  }
0x12: {  	[tilespmem:s15+$0x0 ss:$0x81] =	vst.msk $0xffff, v1;
	s13 =	sor.u32 $0x400, s13;
	s12 =	sadd.s32 s16, s12  }
0x13: {  	[hbm4b:s12+s13] =	stream.strided.scatter [tilespmem:s14], [sflag:$0x2], $0x2000, s8, s13, $0x20;
	[tilespmem:$0x8080] =	vst v63  }
.LBB1_5:
0x14: {  	s14 =	sadd.s32 $0x1, s9  }
0x15: {  	s12 =	sadd.s32 $0x1000, s10;
	s16 =	smov.u32 s10;
	p2 =	sgt.s32 s14, $0xC7  }
0x16: {  	s16 =	smov.u32 @p2 s12  }
0x17: {  	s14 =	simm.s32 @p2 $0x0;
	p2 =	sgt.s32 s16, $0xFFF  }
0x18: {  	s16 =	smov.u32 @p2 s2;
	p2 =	sne.s32 s11, s7  }
.Ltmp1:
0x19: {  	p1 =	slt.u32 s11, $0x2;
	(pc) =	sbr.rel @!p2 .LBB1_6-.Ltmp1, $4  }
0x1a: {  	s15 =	simm.s32 @!p1 $0x2  }
0x1b: {  	s13 =	smov.u32 s10;
	p0 =	por !p0, !p0;
	_ =	swait.ge @!p1 [sflag:s15], $0x2000  }
0x1c: {  	s12 =	smov.u32 s9;
	[sflag:s15] =	ssyncset.done @!p1 $0x0;
	s9 =	smov.u32 s14  }
0x1d: {  	s11 =	sadd.s32 $0x1, s11;
	[sflag:s15] =	ssyncadd.s32 @!p1 $0xFFFFE000;
	s10 =	smov.u32 s16  }
.LBB1_1:
0x1e: {  	p1 =	sge.u32 s11, s5  }
0x1f: {  	s14 =	sand.u32 @!p1 $0x1FFFFFF, s9  }
0x20: {  	s15 =	smulhi.u32 @!p1 $0x147AE15, s14;
	_ =	sdelay $0x1  }
0x21: {  	s15 =	smul.u32 @!p1 $0xC8, s15  }
0x22: {  	s16 =	sxor.u32 @!p1 $0xFFFFFFFF, s11;
	s17 =	smul.u32 @!p1 $0xC80, s10  }
0x23: {  	s31 =	sadd.s32 $0xFFFFFFFF, s11;
	s16 =	sshll.u32 @!p1 s16, $0xD;
	s14 =	ssub.s32 @!p1 s14, s15  }
0x24: {  	s15 =	sand.u32 @!p1 $0x2000, s16;
	s16 =	sadd.s32 @!p1 s6, s17;
	s14 =	sshll.u32 @!p1 s14, $0x4  }
0x25: {  	s17 =	simm.s32 @!p1 $0x6400;
	s14 =	sadd.s32 @!p1 s14, s16;
	s16 =	simm.s32 @!p1 $0x40  }
0x26: {  	[tilespmem:s15], [sflag:$0x1] =	stream.strided.gather @!p1 [hbm4b:s14+s16], $0x2000, s17, s16, $0x38;
	[tilespmem:$0x8080] =	vst v63  }
0x27: {  	p1 =	sge.u32 s31, s5  }
.Ltmp2:
0x28: {  	_ = 	snop;
	(pc) =	sbr.rel @p1 .LBB1_5-.Ltmp2, $1  }
0x29: {  	_ =	sdelay $0x3  }
0x2a: {  	s14 =	simm.s32 $0x1  }
0x2b: {  	_ =	swait.ge [sflag:s4], $0x2000;
	s14 =	simm.s32 @!p0 $0x0  }
0x2c: {  	[sflag:s4] =	ssyncset.done $0x0;
	s15 =	sshll.u32 s14, $0xD  }
0x2d: {  	[sflag:s4] =	ssyncadd.s32 $0xFFFFE000;
	s18 =	sor.u32 $0x20, s15  }
0x2e: {  	s14 =	smul.u32 $0x8100, s14;
	v3 =	vld [tilespmem:s18+$0x10]  }
0x2f: {  	s30 =	sand.u32 $0x1, s11;
	v2 =	vld [tilespmem:s18+$0xFFFFFFF0]  }
0x30: {  	s15 =	smul.u32 $0x8100, s30;
	s14 =	sshrl.u32 s14, $0x2;
	v0 =	vld [tilespmem:s18+$0x0]  }
0x31: {  	v1 =	vld [tilespmem:s18+$0xFFFFFFE0];
	s16 =	sor.u32 $0x4000, s14  }
0x32: {  	s31 =	sshrl.u32 s15, $0x2;
	s15 =	sadd.s32 $0x0, s16  }
0x33: {  	s17 =	simm.s32 $0x4;
	s18 =	sadd.s32 $0x40, s18;
	s14 =	sor.u32 $0x4000, s31;
	[tilespmem:s15+$0x1830 ss:$0x81] =	vst.msk $0xffff, v3  }
.LBB1_3:
0x34: {  	v3 =	vld [tilespmem:s18+$0x10];
	p1 =	sne.s32 s17, $0x1FC;
	[tilespmem:s15+$0x810 ss:$0x81] =	vst.msk $0xffff, v2;
	s19 =	smov.u32 s17;
	s17 =	sadd.s32 $0x4, s17  }
.Ltmp3:
0x35: {  	v2 =	vld [tilespmem:s18+$0xFFFFFFF0];
	[tilespmem:s15+$0x1020 ss:$0x81] =	vst.msk $0xffff, v0;
	(pc) =	sbr.rel @p1 .LBB1_3-.Ltmp3, $4  }
0x36: {  	v0 =	vld [tilespmem:s18+$0x0];
	[tilespmem:s15+$0x0 ss:$0x81] =	vst.msk $0xffff, v1  }
0x37: {  	s15 =	sshra.s32 s19, $0x2;
	v1 =	vld [tilespmem:s18+$0xFFFFFFE0]  }
0x38: {  	s15 =	sadd.s32 s15, s16  }
0x39: {  	s18 =	sadd.s32 $0x40, s18;
	[tilespmem:s15+$0x1830 ss:$0x81] =	vst.msk $0xffff, v3  }
.Ltmp4:
0x3a: {  	_ = 	snop;
	(pc) =	sbr.rel .LBB1_4-.Ltmp4, $1  }
0x3b: {  	_ =	sdelay $0x3  }
.LBB1_6:
0x3c: {  	_ =	sfence.sel $0x180000  }
0x3d: {  	s2 =	simm.s32 $0x1;
	[bflag:$0x0] =	sbarrier.arrive $0xFFFF  }
0x3e: {  	s31 =	simm.s32 $0x2;
	[sflag:s2] =	ssyncpa.u1 $0x1  }
0x3f: {  	[sflag:s31] =	ssyncpa.u1 $0x1  }
0x40: {  	p0 =	sne.s32 s0, $0x0;
	_ =	strace $0x9000004A  }
0x41: {  	s0 =	sadd.s32 @!p0 $0x100000, s1;
	[bflag:$0x2] =	sbarrier.arrive $0xFFFF  }
0x42: {  	[sflag:s0] =	ssyncadd.tile.s32 @!p0 $0x1;
	_ =	shalt  }
.Lfunc_end1:
_tile_overlayer_lowered:
.L_overlay_start_2:
0x43: {  	(tag) =	ssettag $0x2  }
0x44: {  	s0 =	rddreg [dreg:$0x0];
	s2 =	stileid.u32  }
0x45: {  	s1 =	rddreg [dreg:$0x1];
	p0 =	sne.s32 s2, $0x0  }
0x46: {  	s3 =	rddreg [dreg:$0x2];
	[bflag:$0x3] =	sbarrier.arrive $0xFFFF;
	s2 =	simm.s32 @!p0 $0x1C01  }
0x47: {  	[timem:s3], [sflag:s2] =	dma.local @!p0 [hbm:s0], s1  }
0x48: {  	s0 =	simm.s32 @!p0 $0x1  }
0x49: {  	_ =	swait.ge @!p0 [sflag:s0], s1  }
0x4a: {  	s1 =	ssub.s32 @!p0 $0x0, s1;
	[sflag:s0] =	ssyncset.done @!p0 $0x0  }
0x4b: {  	[sflag:s0] =	ssyncadd.s32 @!p0 s1  }
0x4c: {  	[bflag:$0x3] =	sbarrier.arrive $0xFFFF  }
0x4d: {  	_ =	shalt  }

</sc_bundles>
